<compile_context>
chip_gen: v7x
topology: tpu7x:2x2x1
jax: 0.10.2.dev20260603
libtpu: 0.0.44.dev20260713+nightly
codegen_flags: <defaults>
</compile_context>

<pallas_src>
import jax
import jax.numpy as jnp
from jax import lax
from jax.experimental import pallas as pl
from jax.experimental.pallas import tpu as pltpu
from jax.experimental.pallas import tpu_sc as plsc

_N = 10000
_D = 128
_E = 320000
_NC = 2
_NS = 16
_NH = _N // _NC
_NTRASH = 120
_NACC = _NH + _NTRASH
_RPT = _NACC // _NS
_ECHK = 128
_K = 160
_EPAD = _NS * _K * _ECHK
_NBUF = 2

_sc_mesh = plsc.VectorSubcoreMesh(
    core_axis_name="c", subcore_axis_name="s", num_cores=_NC, num_subcores=_NS
)


def _seg_sum_body(x_hbm, src_hbm, dst_hbm, zero_hbm, out_hbm,
                  src_v, dst_v, rows_v, acc_sh,
                  gsem0, gsem1):
    c = lax.axis_index("c")
    s = lax.axis_index("s")
    rows = [rows_v.at[b] for b in range(_NBUF)]
    gsem = [gsem0, gsem1]

    pltpu.sync_copy(src_hbm.at[s], src_v)
    pltpu.sync_copy(dst_hbm.at[c * _NS + s], dst_v)
    for b in range(_NBUF):
        pltpu.async_copy(x_hbm.at[src_v.at[b]], rows[b], gsem[b])
    pltpu.sync_copy(zero_hbm, acc_sh.at[pl.ds(s * _RPT, _RPT)])
    plsc.subcore_barrier()

    def group(g, carry):
        for b in range(_NBUF):
            j = g * _NBUF + b
            pltpu.make_async_copy(x_hbm.at[src_v.at[j]], rows[b], gsem[b]).wait()
            pltpu.sync_copy(rows[b], acc_sh.at[dst_v.at[j]], add=True)
            pltpu.async_copy(x_hbm.at[src_v.at[j + _NBUF]], rows[b], gsem[b])
        return carry

    lax.fori_loop(0, _K // _NBUF - 1, group, 0)

    for b in range(_NBUF):
        j = _K - _NBUF + b
        pltpu.make_async_copy(x_hbm.at[src_v.at[j]], rows[b], gsem[b]).wait()
        pltpu.sync_copy(rows[b], acc_sh.at[dst_v.at[j]], add=True)

    plsc.subcore_barrier()
    pltpu.sync_copy(acc_sh.at[pl.ds(s * _RPT, _RPT)],
                    out_hbm.at[c, pl.ds(s * _RPT, _RPT)])


_seg_sum = pl.kernel(
    _seg_sum_body,
    out_type=jax.ShapeDtypeStruct((_NC, _NACC, _D), jnp.float32),
    mesh=_sc_mesh,
    scratch_types=[
        pltpu.VMEM((_K, _ECHK), jnp.int32),
        pltpu.VMEM((_K, _ECHK), jnp.int32),
        pltpu.VMEM((_NBUF, _ECHK, _D), jnp.float32),
        pltpu.VMEM_SHARED((_NACC, _D), jnp.float32),
        pltpu.SemaphoreType.DMA,
        pltpu.SemaphoreType.DMA,
    ],
)


_CH = 128
_NCHUNK = _EPAD // _CH
_ECHUNK = _E // _CH


def _edge_prep_body(edge_ref, src_out, dst_out):
    src2d = edge_ref[0].reshape(_ECHUNK, _CH)
    dst2d = edge_ref[1].reshape(_ECHUNK, _CH)
    npad = _NCHUNK - _ECHUNK
    padk = (lax.broadcasted_iota(jnp.int32, (npad, _CH), 0) * _CH
            + lax.broadcasted_iota(jnp.int32, (npad, _CH), 1))
    src_out[...] = jnp.concatenate(
        [src2d, (padk * 131) % _N], axis=0)
    eids = (lax.broadcasted_iota(jnp.int32, (_ECHUNK, _CH), 0) * _CH
            + lax.broadcasted_iota(jnp.int32, (_ECHUNK, _CH), 1))
    trash = _NH + (eids % _NTRASH)
    pad_trash = _NH + ((_E + padk) % _NTRASH)
    cores = []
    for cc in range(_NC):
        local = dst2d - cc * _NH
        own = (local >= 0) & (local < _NH)
        main = jnp.where(own, local, trash)
        cores.append(jnp.concatenate([main, pad_trash], axis=0))
    dst_out[...] = jnp.stack(cores)


_edge_prep = pl.pallas_call(
    _edge_prep_body,
    out_shape=(
        jax.ShapeDtypeStruct((_NCHUNK, _CH), jnp.int32),
        jax.ShapeDtypeStruct((_NC, _NCHUNK, _CH), jnp.int32),
    ),
)


_ROWS_BLK = 1000
_BPC = _NH // _ROWS_BLK


def _mlp1_body(x_ref, p_ref, w1_ref, b1_ref, w2_ref, b2_ref, o_ref):
    h = x_ref[...] + p_ref[0]
    a = jnp.dot(h, w1_ref[...], preferred_element_type=jnp.float32) + b1_ref[...]
    a = jnp.maximum(a, 0.0)
    z = jnp.dot(a, w2_ref[...], preferred_element_type=jnp.float32) + b2_ref[...]
    o_ref[...] = jnp.maximum(z, 0.0)


def _mlp2_body(h_ref, q_ref, w3_ref, b3_ref, w4_ref, b4_ref, o_ref):
    g = h_ref[...] + q_ref[0]
    a = jnp.dot(g, w3_ref[...], preferred_element_type=jnp.float32) + b3_ref[...]
    a = jnp.maximum(a, 0.0)
    z = jnp.dot(a, w4_ref[...], preferred_element_type=jnp.float32) + b4_ref[...]
    m = jnp.max(z, axis=1, keepdims=True)
    e = z - m
    o_ref[...] = e - jnp.log(jnp.sum(jnp.exp(e), axis=1, keepdims=True))


def _row_blocked_call(body):
    blk = lambda: pl.BlockSpec((_ROWS_BLK, _D), lambda i: (i, 0))
    part = pl.BlockSpec((1, _ROWS_BLK, _D), lambda i: (i // _BPC, i % _BPC, 0))
    full = lambda: pl.BlockSpec((_D, _D), lambda i: (0, 0))
    bias = lambda: pl.BlockSpec((1, _D), lambda i: (0, 0))
    return pl.pallas_call(
        body,
        grid=(_N // _ROWS_BLK,),
        in_specs=[blk(), part, full(), bias(), full(), bias()],
        out_specs=blk(),
        out_shape=jax.ShapeDtypeStruct((_N, _D), jnp.float32),
    )


_mlp1 = _row_blocked_call(_mlp1_body)
_mlp2 = _row_blocked_call(_mlp2_body)


def kernel(x, edge_index, W1, b1, W2, b2, W3, b3, W4, b4):
    srcp, dstp = _edge_prep(edge_index)
    srcp = srcp.reshape(_NS, _K, _ECHK)
    dst3d = dstp.reshape(_NC * _NS, _K, _ECHK)
    zeros = jnp.zeros((_RPT, _D), jnp.float32)

    p = _seg_sum(x, srcp, dst3d, zeros)
    h = _mlp1(x, p, W1, b1.reshape(1, _D), W2, b2.reshape(1, _D))
    q = _seg_sum(h, srcp, dst3d, zeros)
    return _mlp2(h, q, W3, b3.reshape(1, _D), W4, b4.reshape(1, _D))

# --- scband reference (transcript-rebuilt; emitter-appended) ---
"""Pipeline reference for scband-gin-41652592836734 (READ-ONLY COPY).

The authoritative reference and input builder live on the scoring server;
editing this copy changes nothing except your own understanding.
"""

import jax, jax.numpy as jnp
import numpy as np

N = 10000
E = 320000
D = 128
H = 128
O = 128


def setup_inputs(seed: int = 0) -> dict:
    key = jax.random.key(seed)
    ks = jax.random.split(key, 12)
    x = jax.random.normal(ks[0], (N, D), dtype=jnp.float32)
    edge_index = jax.random.randint(ks[1], (2, E), 0, N, dtype=jnp.int32)
    s1 = 1.0 / np.sqrt(D)
    s2 = 1.0 / np.sqrt(H)
    W1 = jax.random.uniform(ks[2], (D, H), dtype=jnp.float32, minval=-s1, maxval=s1)
    b1 = jax.random.uniform(ks[3], (H,), dtype=jnp.float32, minval=-s1, maxval=s1)
    W2 = jax.random.uniform(ks[4], (H, H), dtype=jnp.float32, minval=-s2, maxval=s2)
    b2 = jax.random.uniform(ks[5], (H,), dtype=jnp.float32, minval=-s2, maxval=s2)
    W3 = jax.random.uniform(ks[6], (H, H), dtype=jnp.float32, minval=-s2, maxval=s2)
    b3 = jax.random.uniform(ks[7], (H,), dtype=jnp.float32, minval=-s2, maxval=s2)
    W4 = jax.random.uniform(ks[8], (H, O), dtype=jnp.float32, minval=-s2, maxval=s2)
    b4 = jax.random.uniform(ks[9], (O,), dtype=jnp.float32, minval=-s2, maxval=s2)
    return {"x": x, "edge_index": edge_index, "W1": W1, "b1": b1, "W2": W2, "b2": b2, "W3": W3, "b3": b3, "W4": W4, "b4": b4}


def reference(x, edge_index, W1, b1, W2, b2, W3, b3, W4, b4):
    src = edge_index[0]
    dst = edge_index[1]
    # --- GINConv 1: MLP((1+eps)*x + sum_{j in N(i)} x_j), eps=0 ---
    agg1 = jax.ops.segment_sum(jnp.take(x, src, axis=0), dst, num_segments=N)
    h = x + agg1
    h = jnp.maximum(h @ W1 + b1, 0.0)
    h = h @ W2 + b2
    # outer relu after conv1 (dropout p=0.0 is identity)
    h = jnp.maximum(h, 0.0)
    # --- GINConv 2 ---
    agg2 = jax.ops.segment_sum(jnp.take(h, src, axis=0), dst, num_segments=N)
    h2 = h + agg2
    h2 = jnp.maximum(h2 @ W3 + b3, 0.0)
    h2 = h2 @ W4 + b4
    return jax.nn.log_softmax(h2, axis=1)

if __name__ == "__main__":
    import jax
    _d = setup_inputs()
    print(jax.jit(kernel)(*tuple(_d.values())))

</pallas_src>

<mosaic_0001>
#map = affine_map<(d0, d1) -> (0, 0)>
#map1 = affine_map<(d0, d1) -> (0, 0, 0)>
module attributes {stable_mosaic.version = 14 : i64} {
  func.func @_seg_sum_body(%arg0: i32, %arg1: i32, %arg2: memref<10000x128xf32, #tpu.memory_space<hbm>>, %arg3: memref<16x160x128xi32, #tpu.memory_space<hbm>>, %arg4: memref<32x160x128xi32, #tpu.memory_space<hbm>>, %arg5: memref<320x128xf32, #tpu.memory_space<hbm>>, %arg6: memref<2x5120x128xf32, #tpu.memory_space<hbm>>, %arg7: memref<160x128xi32, #tpu.memory_space<vmem>>, %arg8: memref<160x128xi32, #tpu.memory_space<vmem>>, %arg9: memref<2x128x128xf32, #tpu.memory_space<vmem>>, %arg10: memref<5120x128xf32, #tpu.memory_space<vmem_shared>>, %arg11: memref<!tpu.dma_semaphore, #tpu.memory_space<semaphore_mem>>, %arg12: memref<!tpu.dma_semaphore, #tpu.memory_space<semaphore_mem>>) attributes {dimension_semantics = [#tpu.dimension_semantics<core_parallel>, #tpu.dimension_semantics<subcore_parallel>], iteration_bounds = array<i64: 2, 16>, scalar_prefetch = 0 : i64, scratch_operands = 6 : i64, tpu.core_type = #tpu.core_type<sc_vector_subcore>, window_params = [{transform_indices = #map}, {transform_indices = #map1}, {transform_indices = #map1}, {transform_indices = #map}, {transform_indices = #map1}]} {
    "tpu.region"() ({
      %run_scoped3A_64 = tpu.sem_alloc : memref<!tpu.dma_semaphore, #tpu.memory_space<semaphore_mem>>
      %dma_start3A_65 = arith.constant 0 : i32
      %dma_start3A_66 = arith.constant 0 : i32
      %dma_start3A_67 = tpu.memref_slice %arg3[%arg1, %dma_start3A_65, %dma_start3A_66] : memref<16x160x128xi32, #tpu.memory_space<hbm>> -> memref<1x160x128xi32, #tpu.memory_space<hbm>>
      %dma_start3A_68 = tpu.memref_squeeze %dma_start3A_67 : memref<1x160x128xi32, #tpu.memory_space<hbm>> -> memref<160x128xi32, #tpu.memory_space<hbm>>
      %dma_start3A_69 = arith.constant 0 : i32
      %dma_start3A_70 = arith.constant 0 : i32
      %dma_start3A_71 = tpu.memref_slice %arg3[%arg1, %dma_start3A_69, %dma_start3A_70] : memref<16x160x128xi32, #tpu.memory_space<hbm>> -> memref<1x160x128xi32, #tpu.memory_space<hbm>>
      %dma_start3A_72 = tpu.memref_squeeze %dma_start3A_71 : memref<1x160x128xi32, #tpu.memory_space<hbm>> -> memref<160x128xi32, #tpu.memory_space<hbm>>
      tpu.enqueue_dma source(%dma_start3A_72 : memref<160x128xi32, #tpu.memory_space<hbm>>) target(%arg7 : memref<160x128xi32, #tpu.memory_space<vmem>>) target_semaphore(%run_scoped3A_64 : memref<!tpu.dma_semaphore, #tpu.memory_space<semaphore_mem>>)
      %dma_wait3A_73 = arith.constant 0 : i32
      %dma_wait3A_74 = arith.constant 0 : i32
      %dma_wait3A_75 = tpu.memref_slice %arg3[%arg1, %dma_wait3A_73, %dma_wait3A_74] : memref<16x160x128xi32, #tpu.memory_space<hbm>> -> memref<1x160x128xi32, #tpu.memory_space<hbm>>
      %dma_wait3A_76 = tpu.memref_squeeze %dma_wait3A_75 : memref<1x160x128xi32, #tpu.memory_space<hbm>> -> memref<160x128xi32, #tpu.memory_space<hbm>>
      %dma_wait3A_77 = arith.constant 0 : i32
      %dma_wait3A_78 = arith.constant 0 : i32
      %dma_wait3A_79 = tpu.memref_slice %arg3[%arg1, %dma_wait3A_77, %dma_wait3A_78] : memref<16x160x128xi32, #tpu.memory_space<hbm>> -> memref<1x160x128xi32, #tpu.memory_space<hbm>>
      %dma_wait3A_80 = tpu.memref_squeeze %dma_wait3A_79 : memref<1x160x128xi32, #tpu.memory_space<hbm>> -> memref<160x128xi32, #tpu.memory_space<hbm>>
      tpu.wait_dma2 semaphore(%run_scoped3A_64 : memref<!tpu.dma_semaphore, #tpu.memory_space<semaphore_mem>>) src(%dma_wait3A_80 : memref<160x128xi32, #tpu.memory_space<hbm>>) dst(%arg7 : memref<160x128xi32, #tpu.memory_space<vmem>>)
      tpu.yield
    }) : () -> ()
    %mul3A = arith.constant 16 : i32
    %mul3A_0 = arith.muli %arg0, %mul3A : i32
    %add3A = arith.addi %mul3A_0, %arg1 : i32
    "tpu.region"() ({
      %run_scoped3A_64 = tpu.sem_alloc : memref<!tpu.dma_semaphore, #tpu.memory_space<semaphore_mem>>
      %dma_start3A_65 = arith.constant 0 : i32
      %dma_start3A_66 = arith.constant 0 : i32
      %dma_start3A_67 = tpu.memref_slice %arg4[%add3A, %dma_start3A_65, %dma_start3A_66] : memref<32x160x128xi32, #tpu.memory_space<hbm>> -> memref<1x160x128xi32, #tpu.memory_space<hbm>>
      %dma_start3A_68 = tpu.memref_squeeze %dma_start3A_67 : memref<1x160x128xi32, #tpu.memory_space<hbm>> -> memref<160x128xi32, #tpu.memory_space<hbm>>
      %dma_start3A_69 = arith.constant 0 : i32
      %dma_start3A_70 = arith.constant 0 : i32
      %dma_start3A_71 = tpu.memref_slice %arg4[%add3A, %dma_start3A_69, %dma_start3A_70] : memref<32x160x128xi32, #tpu.memory_space<hbm>> -> memref<1x160x128xi32, #tpu.memory_space<hbm>>
      %dma_start3A_72 = tpu.memref_squeeze %dma_start3A_71 : memref<1x160x128xi32, #tpu.memory_space<hbm>> -> memref<160x128xi32, #tpu.memory_space<hbm>>
      tpu.enqueue_dma source(%dma_start3A_72 : memref<160x128xi32, #tpu.memory_space<hbm>>) target(%arg8 : memref<160x128xi32, #tpu.memory_space<vmem>>) target_semaphore(%run_scoped3A_64 : memref<!tpu.dma_semaphore, #tpu.memory_space<semaphore_mem>>)
      %dma_wait3A_73 = arith.constant 0 : i32
      %dma_wait3A_74 = arith.constant 0 : i32
      %dma_wait3A_75 = tpu.memref_slice %arg4[%add3A, %dma_wait3A_73, %dma_wait3A_74] : memref<32x160x128xi32, #tpu.memory_space<hbm>> -> memref<1x160x128xi32, #tpu.memory_space<hbm>>
      %dma_wait3A_76 = tpu.memref_squeeze %dma_wait3A_75 : memref<1x160x128xi32, #tpu.memory_space<hbm>> -> memref<160x128xi32, #tpu.memory_space<hbm>>
      %dma_wait3A_77 = arith.constant 0 : i32
      %dma_wait3A_78 = arith.constant 0 : i32
      %dma_wait3A_79 = tpu.memref_slice %arg4[%add3A, %dma_wait3A_77, %dma_wait3A_78] : memref<32x160x128xi32, #tpu.memory_space<hbm>> -> memref<1x160x128xi32, #tpu.memory_space<hbm>>
      %dma_wait3A_80 = tpu.memref_squeeze %dma_wait3A_79 : memref<1x160x128xi32, #tpu.memory_space<hbm>> -> memref<160x128xi32, #tpu.memory_space<hbm>>
      tpu.wait_dma2 semaphore(%run_scoped3A_64 : memref<!tpu.dma_semaphore, #tpu.memory_space<semaphore_mem>>) src(%dma_wait3A_80 : memref<160x128xi32, #tpu.memory_space<hbm>>) dst(%arg8 : memref<160x128xi32, #tpu.memory_space<vmem>>)
      tpu.yield
    }) : () -> ()
    %dma_start3A = arith.constant 0 : i32
    %dma_start3A_1 = arith.constant 0 : i32
    %dma_start3A_2 = arith.constant 0 : i32
    %dma_start3A_3 = arith.constant 0 : i32
    %dma_start3A_4 = tpu.memref_slice %arg9[%dma_start3A_1, %dma_start3A_2, %dma_start3A_3] : memref<2x128x128xf32, #tpu.memory_space<vmem>> -> memref<1x128x128xf32, #tpu.memory_space<vmem>>
    %dma_start3A_5 = tpu.memref_squeeze %dma_start3A_4 : memref<1x128x128xf32, #tpu.memory_space<vmem>> -> memref<128x128xf32, #tpu.memory_space<vmem>>
    %dma_start3A_6 = arith.constant 0 : i32
    %dma_start3A_7 = tpu.memref_slice %arg7[%dma_start3A, %dma_start3A_6] : memref<160x128xi32, #tpu.memory_space<vmem>> -> memref<1x128xi32, #tpu.memory_space<vmem>>
    %dma_start3A_8 = tpu.memref_squeeze %dma_start3A_7 : memref<1x128xi32, #tpu.memory_space<vmem>> -> memref<128xi32, #tpu.memory_space<vmem>>
    %dma_start3A_9 = arith.constant 0 : i32
    %dma_start3A_10 = arith.constant 0 : i32
    %dma_start3A_11 = tpu.memref_slice %arg2[%dma_start3A_9, %dma_start3A_10] : memref<10000x128xf32, #tpu.memory_space<hbm>> -> memref<10000x128xf32, #tpu.memory_space<hbm>>
    tpu.enqueue_indirect_dma source(%dma_start3A_11 : memref<10000x128xf32, #tpu.memory_space<hbm>>) target(%dma_start3A_5 : memref<128x128xf32, #tpu.memory_space<vmem>>) offsets(%dma_start3A_8 : memref<128xi32, #tpu.memory_space<vmem>>) semaphore(%arg11 : memref<!tpu.dma_semaphore, #tpu.memory_space<semaphore_mem>>)
    %dma_start3A_12 = arith.constant 1 : i32
    %dma_start3A_13 = arith.constant 1 : i32
    %dma_start3A_14 = arith.constant 0 : i32
    %dma_start3A_15 = arith.constant 0 : i32
    %dma_start3A_16 = tpu.memref_slice %arg9[%dma_start3A_13, %dma_start3A_14, %dma_start3A_15] : memref<2x128x128xf32, #tpu.memory_space<vmem>> -> memref<1x128x128xf32, #tpu.memory_space<vmem>>
    %dma_start3A_17 = tpu.memref_squeeze %dma_start3A_16 : memref<1x128x128xf32, #tpu.memory_space<vmem>> -> memref<128x128xf32, #tpu.memory_space<vmem>>
    %dma_start3A_18 = arith.constant 0 : i32
    %dma_start3A_19 = tpu.memref_slice %arg7[%dma_start3A_12, %dma_start3A_18] : memref<160x128xi32, #tpu.memory_space<vmem>> -> memref<1x128xi32, #tpu.memory_space<vmem>>
    %dma_start3A_20 = tpu.memref_squeeze %dma_start3A_19 : memref<1x128xi32, #tpu.memory_space<vmem>> -> memref<128xi32, #tpu.memory_space<vmem>>
    %dma_start3A_21 = arith.constant 0 : i32
    %dma_start3A_22 = arith.constant 0 : i32
    %dma_start3A_23 = tpu.memref_slice %arg2[%dma_start3A_21, %dma_start3A_22] : memref<10000x128xf32, #tpu.memory_space<hbm>> -> memref<10000x128xf32, #tpu.memory_space<hbm>>
    tpu.enqueue_indirect_dma source(%dma_start3A_23 : memref<10000x128xf32, #tpu.memory_space<hbm>>) target(%dma_start3A_17 : memref<128x128xf32, #tpu.memory_space<vmem>>) offsets(%dma_start3A_20 : memref<128xi32, #tpu.memory_space<vmem>>) semaphore(%arg12 : memref<!tpu.dma_semaphore, #tpu.memory_space<semaphore_mem>>)
    %mul3A_24 = arith.constant 320 : i32
    %mul3A_25 = arith.muli %arg1, %mul3A_24 : i32
    "tpu.region"() ({
      %run_scoped3A_64 = tpu.sem_alloc : memref<!tpu.dma_semaphore, #tpu.memory_space<semaphore_mem>>
      %dma_start3A_65 = arith.constant 0 : i32
      %dma_start3A_66 = tpu.memref_slice %arg10[%mul3A_25, %dma_start3A_65] : memref<5120x128xf32, #tpu.memory_space<vmem_shared>> -> memref<320x128xf32, #tpu.memory_space<vmem_shared>>
      tpu.enqueue_dma source(%arg5 : memref<320x128xf32, #tpu.memory_space<hbm>>) target(%dma_start3A_66 : memref<320x128xf32, #tpu.memory_space<vmem_shared>>) target_semaphore(%run_scoped3A_64 : memref<!tpu.dma_semaphore, #tpu.memory_space<semaphore_mem>>)
      %dma_wait3A_67 = arith.constant 0 : i32
      %dma_wait3A_68 = tpu.memref_slice %arg10[%mul3A_25, %dma_wait3A_67] : memref<5120x128xf32, #tpu.memory_space<vmem_shared>> -> memref<320x128xf32, #tpu.memory_space<vmem_shared>>
      tpu.wait_dma2 semaphore(%run_scoped3A_64 : memref<!tpu.dma_semaphore, #tpu.memory_space<semaphore_mem>>) src(%arg5 : memref<320x128xf32, #tpu.memory_space<hbm>>) dst(%dma_wait3A_68 : memref<320x128xf32, #tpu.memory_space<vmem_shared>>)
      tpu.yield
    }) : () -> ()
    %barrier3A = arith.constant 0 : index
    tpu.barrier barrier_id(%barrier3A)
    %scan3A = arith.constant 0 : i32
    %scan3A_26 = arith.constant 0 : i32
    %scan3A_27 = arith.constant 1 : i32
    %scan3A_28 = arith.constant 0 : i32
    %scan3A_29 = arith.constant 79 : i32
    %scan3A_30 = arith.addi %scan3A_28, %scan3A_29 : i32
    %scan3A_31 = arith.constant 1 : i32
    scf.for %scan3A_64 = %scan3A_28 to %scan3A_30 step %scan3A_31  : i32 {
      %mul3A_65 = arith.constant 2 : i32
      %mul3A_66 = arith.muli %scan3A_64, %mul3A_65 : i32
      %add3A_67 = arith.constant 0 : i32
      %add3A_68 = arith.addi %mul3A_66, %add3A_67 : i32
      %dma_wait3A_69 = arith.constant 0 : i32
      %dma_wait3A_70 = arith.constant 0 : i32
      %dma_wait3A_71 = tpu.memref_slice %arg9[%scan3A_26, %dma_wait3A_69, %dma_wait3A_70] : memref<2x128x128xf32, #tpu.memory_space<vmem>> -> memref<1x128x128xf32, #tpu.memory_space<vmem>>
      %dma_wait3A_72 = tpu.memref_squeeze %dma_wait3A_71 : memref<1x128x128xf32, #tpu.memory_space<vmem>> -> memref<128x128xf32, #tpu.memory_space<vmem>>
      %dma_wait3A_73 = arith.constant 0 : i32
      %dma_wait3A_74 = tpu.memref_slice %arg7[%add3A_68, %dma_wait3A_73] : memref<160x128xi32, #tpu.memory_space<vmem>> -> memref<1x128xi32, #tpu.memory_space<vmem>>
      %dma_wait3A_75 = tpu.memref_squeeze %dma_wait3A_74 : memref<1x128xi32, #tpu.memory_space<vmem>> -> memref<128xi32, #tpu.memory_space<vmem>>
      %dma_wait3A_76 = arith.constant 0 : i32
      %dma_wait3A_77 = arith.constant 0 : i32
      %dma_wait3A_78 = tpu.memref_slice %arg2[%dma_wait3A_76, %dma_wait3A_77] : memref<10000x128xf32, #tpu.memory_space<hbm>> -> memref<10000x128xf32, #tpu.memory_space<hbm>>
      tpu.wait_indirect_dma semaphore(%arg11 : memref<!tpu.dma_semaphore, #tpu.memory_space<semaphore_mem>>) src(%dma_wait3A_78 : memref<10000x128xf32, #tpu.memory_space<hbm>>) dst(%dma_wait3A_72 : memref<128x128xf32, #tpu.memory_space<vmem>>)
      "tpu.region"() ({
        %run_scoped3A_117 = tpu.sem_alloc : memref<!tpu.dma_semaphore, #tpu.memory_space<semaphore_mem>>
        %dma_start3A_118 = arith.constant 0 : i32
        %dma_start3A_119 = arith.constant 0 : i32
        %dma_start3A_120 = tpu.memref_slice %arg9[%scan3A_26, %dma_start3A_118, %dma_start3A_119] : memref<2x128x128xf32, #tpu.memory_space<vmem>> -> memref<1x128x128xf32, #tpu.memory_space<vmem>>
        %dma_start3A_121 = tpu.memref_squeeze %dma_start3A_120 : memref<1x128x128xf32, #tpu.memory_space<vmem>> -> memref<128x128xf32, #tpu.memory_space<vmem>>
        %dma_start3A_122 = arith.constant 0 : i32
        %dma_start3A_123 = tpu.memref_slice %arg8[%add3A_68, %dma_start3A_122] : memref<160x128xi32, #tpu.memory_space<vmem>> -> memref<1x128xi32, #tpu.memory_space<vmem>>
        %dma_start3A_124 = tpu.memref_squeeze %dma_start3A_123 : memref<1x128xi32, #tpu.memory_space<vmem>> -> memref<128xi32, #tpu.memory_space<vmem>>
        %dma_start3A_125 = arith.constant 0 : i32
        %dma_start3A_126 = arith.constant 0 : i32
        %dma_start3A_127 = tpu.memref_slice %arg10[%dma_start3A_125, %dma_start3A_126] : memref<5120x128xf32, #tpu.memory_space<vmem_shared>> -> memref<5120x128xf32, #tpu.memory_space<vmem_shared>>
        tpu.enqueue_indirect_dma source(%dma_start3A_121 : memref<128x128xf32, #tpu.memory_space<vmem>>) target(%dma_start3A_127 : memref<5120x128xf32, #tpu.memory_space<vmem_shared>>) offsets(%dma_start3A_124 : memref<128xi32, #tpu.memory_space<vmem>>) semaphore(%run_scoped3A_117 : memref<!tpu.dma_semaphore, #tpu.memory_space<semaphore_mem>>) {add = true}
        %dma_wait3A_128 = arith.constant 0 : i32
        %dma_wait3A_129 = arith.constant 0 : i32
        %dma_wait3A_130 = tpu.memref_slice %arg9[%scan3A_26, %dma_wait3A_128, %dma_wait3A_129] : memref<2x128x128xf32, #tpu.memory_space<vmem>> -> memref<1x128x128xf32, #tpu.memory_space<vmem>>
        %dma_wait3A_131 = tpu.memref_squeeze %dma_wait3A_130 : memref<1x128x128xf32, #tpu.memory_space<vmem>> -> memref<128x128xf32, #tpu.memory_space<vmem>>
        %dma_wait3A_132 = arith.constant 0 : i32
        %dma_wait3A_133 = tpu.memref_slice %arg8[%add3A_68, %dma_wait3A_132] : memref<160x128xi32, #tpu.memory_space<vmem>> -> memref<1x128xi32, #tpu.memory_space<vmem>>
        %dma_wait3A_134 = tpu.memref_squeeze %dma_wait3A_133 : memref<1x128xi32, #tpu.memory_space<vmem>> -> memref<128xi32, #tpu.memory_space<vmem>>
        %dma_wait3A_135 = arith.constant 0 : i32
        %dma_wait3A_136 = arith.constant 0 : i32
        %dma_wait3A_137 = tpu.memref_slice %arg10[%dma_wait3A_135, %dma_wait3A_136] : memref<5120x128xf32, #tpu.memory_space<vmem_shared>> -> memref<5120x128xf32, #tpu.memory_space<vmem_shared>>
        tpu.wait_indirect_dma semaphore(%run_scoped3A_117 : memref<!tpu.dma_semaphore, #tpu.memory_space<semaphore_mem>>) src(%dma_wait3A_131 : memref<128x128xf32, #tpu.memory_space<vmem>>) dst(%dma_wait3A_137 : memref<5120x128xf32, #tpu.memory_space<vmem_shared>>)
        tpu.yield
      }) : () -> ()
      %add3A_79 = arith.constant 2 : i32
      %add3A_80 = arith.addi %add3A_68, %add3A_79 : i32
      %dma_start3A_81 = arith.constant 0 : i32
      %dma_start3A_82 = arith.constant 0 : i32
      %dma_start3A_83 = tpu.memref_slice %arg9[%scan3A_26, %dma_start3A_81, %dma_start3A_82] : memref<2x128x128xf32, #tpu.memory_space<vmem>> -> memref<1x128x128xf32, #tpu.memory_space<vmem>>
      %dma_start3A_84 = tpu.memref_squeeze %dma_start3A_83 : memref<1x128x128xf32, #tpu.memory_space<vmem>> -> memref<128x128xf32, #tpu.memory_space<vmem>>
      %dma_start3A_85 = arith.constant 0 : i32
      %dma_start3A_86 = tpu.memref_slice %arg7[%add3A_80, %dma_start3A_85] : memref<160x128xi32, #tpu.memory_space<vmem>> -> memref<1x128xi32, #tpu.memory_space<vmem>>
      %dma_start3A_87 = tpu.memref_squeeze %dma_start3A_86 : memref<1x128xi32, #tpu.memory_space<vmem>> -> memref<128xi32, #tpu.memory_space<vmem>>
      %dma_start3A_88 = arith.constant 0 : i32
      %dma_start3A_89 = arith.constant 0 : i32
      %dma_start3A_90 = tpu.memref_slice %arg2[%dma_start3A_88, %dma_start3A_89] : memref<10000x128xf32, #tpu.memory_space<hbm>> -> memref<10000x128xf32, #tpu.memory_space<hbm>>
      tpu.enqueue_indirect_dma source(%dma_start3A_90 : memref<10000x128xf32, #tpu.memory_space<hbm>>) target(%dma_start3A_84 : memref<128x128xf32, #tpu.memory_space<vmem>>) offsets(%dma_start3A_87 : memref<128xi32, #tpu.memory_space<vmem>>) semaphore(%arg11 : memref<!tpu.dma_semaphore, #tpu.memory_space<semaphore_mem>>)
      %mul3A_91 = arith.constant 2 : i32
      %mul3A_92 = arith.muli %scan3A_64, %mul3A_91 : i32
      %add3A_93 = arith.constant 1 : i32
      %add3A_94 = arith.addi %mul3A_92, %add3A_93 : i32
      %dma_wait3A_95 = arith.constant 0 : i32
      %dma_wait3A_96 = arith.constant 0 : i32
      %dma_wait3A_97 = tpu.memref_slice %arg9[%scan3A_27, %dma_wait3A_95, %dma_wait3A_96] : memref<2x128x128xf32, #tpu.memory_space<vmem>> -> memref<1x128x128xf32, #tpu.memory_space<vmem>>
      %dma_wait3A_98 = tpu.memref_squeeze %dma_wait3A_97 : memref<1x128x128xf32, #tpu.memory_space<vmem>> -> memref<128x128xf32, #tpu.memory_space<vmem>>
      %dma_wait3A_99 = arith.constant 0 : i32
      %dma_wait3A_100 = tpu.memref_slice %arg7[%add3A_94, %dma_wait3A_99] : memref<160x128xi32, #tpu.memory_space<vmem>> -> memref<1x128xi32, #tpu.memory_space<vmem>>
      %dma_wait3A_101 = tpu.memref_squeeze %dma_wait3A_100 : memref<1x128xi32, #tpu.memory_space<vmem>> -> memref<128xi32, #tpu.memory_space<vmem>>
      %dma_wait3A_102 = arith.constant 0 : i32
      %dma_wait3A_103 = arith.constant 0 : i32
      %dma_wait3A_104 = tpu.memref_slice %arg2[%dma_wait3A_102, %dma_wait3A_103] : memref<10000x128xf32, #tpu.memory_space<hbm>> -> memref<10000x128xf32, #tpu.memory_space<hbm>>
      tpu.wait_indirect_dma semaphore(%arg12 : memref<!tpu.dma_semaphore, #tpu.memory_space<semaphore_mem>>) src(%dma_wait3A_104 : memref<10000x128xf32, #tpu.memory_space<hbm>>) dst(%dma_wait3A_98 : memref<128x128xf32, #tpu.memory_space<vmem>>)
      "tpu.region"() ({
        %run_scoped3A_117 = tpu.sem_alloc : memref<!tpu.dma_semaphore, #tpu.memory_space<semaphore_mem>>
        %dma_start3A_118 = arith.constant 0 : i32
        %dma_start3A_119 = arith.constant 0 : i32
        %dma_start3A_120 = tpu.memref_slice %arg9[%scan3A_27, %dma_start3A_118, %dma_start3A_119] : memref<2x128x128xf32, #tpu.memory_space<vmem>> -> memref<1x128x128xf32, #tpu.memory_space<vmem>>
        %dma_start3A_121 = tpu.memref_squeeze %dma_start3A_120 : memref<1x128x128xf32, #tpu.memory_space<vmem>> -> memref<128x128xf32, #tpu.memory_space<vmem>>
        %dma_start3A_122 = arith.constant 0 : i32
        %dma_start3A_123 = tpu.memref_slice %arg8[%add3A_94, %dma_start3A_122] : memref<160x128xi32, #tpu.memory_space<vmem>> -> memref<1x128xi32, #tpu.memory_space<vmem>>
        %dma_start3A_124 = tpu.memref_squeeze %dma_start3A_123 : memref<1x128xi32, #tpu.memory_space<vmem>> -> memref<128xi32, #tpu.memory_space<vmem>>
        %dma_start3A_125 = arith.constant 0 : i32
        %dma_start3A_126 = arith.constant 0 : i32
        %dma_start3A_127 = tpu.memref_slice %arg10[%dma_start3A_125, %dma_start3A_126] : memref<5120x128xf32, #tpu.memory_space<vmem_shared>> -> memref<5120x128xf32, #tpu.memory_space<vmem_shared>>
        tpu.enqueue_indirect_dma source(%dma_start3A_121 : memref<128x128xf32, #tpu.memory_space<vmem>>) target(%dma_start3A_127 : memref<5120x128xf32, #tpu.memory_space<vmem_shared>>) offsets(%dma_start3A_124 : memref<128xi32, #tpu.memory_space<vmem>>) semaphore(%run_scoped3A_117 : memref<!tpu.dma_semaphore, #tpu.memory_space<semaphore_mem>>) {add = true}
        %dma_wait3A_128 = arith.constant 0 : i32
        %dma_wait3A_129 = arith.constant 0 : i32
        %dma_wait3A_130 = tpu.memref_slice %arg9[%scan3A_27, %dma_wait3A_128, %dma_wait3A_129] : memref<2x128x128xf32, #tpu.memory_space<vmem>> -> memref<1x128x128xf32, #tpu.memory_space<vmem>>
        %dma_wait3A_131 = tpu.memref_squeeze %dma_wait3A_130 : memref<1x128x128xf32, #tpu.memory_space<vmem>> -> memref<128x128xf32, #tpu.memory_space<vmem>>
        %dma_wait3A_132 = arith.constant 0 : i32
        %dma_wait3A_133 = tpu.memref_slice %arg8[%add3A_94, %dma_wait3A_132] : memref<160x128xi32, #tpu.memory_space<vmem>> -> memref<1x128xi32, #tpu.memory_space<vmem>>
        %dma_wait3A_134 = tpu.memref_squeeze %dma_wait3A_133 : memref<1x128xi32, #tpu.memory_space<vmem>> -> memref<128xi32, #tpu.memory_space<vmem>>
        %dma_wait3A_135 = arith.constant 0 : i32
        %dma_wait3A_136 = arith.constant 0 : i32
        %dma_wait3A_137 = tpu.memref_slice %arg10[%dma_wait3A_135, %dma_wait3A_136] : memref<5120x128xf32, #tpu.memory_space<vmem_shared>> -> memref<5120x128xf32, #tpu.memory_space<vmem_shared>>
        tpu.wait_indirect_dma semaphore(%run_scoped3A_117 : memref<!tpu.dma_semaphore, #tpu.memory_space<semaphore_mem>>) src(%dma_wait3A_131 : memref<128x128xf32, #tpu.memory_space<vmem>>) dst(%dma_wait3A_137 : memref<5120x128xf32, #tpu.memory_space<vmem_shared>>)
        tpu.yield
      }) : () -> ()
      %add3A_105 = arith.constant 2 : i32
      %add3A_106 = arith.addi %add3A_94, %add3A_105 : i32
      %dma_start3A_107 = arith.constant 0 : i32
      %dma_start3A_108 = arith.constant 0 : i32
      %dma_start3A_109 = tpu.memref_slice %arg9[%scan3A_27, %dma_start3A_107, %dma_start3A_108] : memref<2x128x128xf32, #tpu.memory_space<vmem>> -> memref<1x128x128xf32, #tpu.memory_space<vmem>>
      %dma_start3A_110 = tpu.memref_squeeze %dma_start3A_109 : memref<1x128x128xf32, #tpu.memory_space<vmem>> -> memref<128x128xf32, #tpu.memory_space<vmem>>
      %dma_start3A_111 = arith.constant 0 : i32
      %dma_start3A_112 = tpu.memref_slice %arg7[%add3A_106, %dma_start3A_111] : memref<160x128xi32, #tpu.memory_space<vmem>> -> memref<1x128xi32, #tpu.memory_space<vmem>>
      %dma_start3A_113 = tpu.memref_squeeze %dma_start3A_112 : memref<1x128xi32, #tpu.memory_space<vmem>> -> memref<128xi32, #tpu.memory_space<vmem>>
      %dma_start3A_114 = arith.constant 0 : i32
      %dma_start3A_115 = arith.constant 0 : i32
      %dma_start3A_116 = tpu.memref_slice %arg2[%dma_start3A_114, %dma_start3A_115] : memref<10000x128xf32, #tpu.memory_space<hbm>> -> memref<10000x128xf32, #tpu.memory_space<hbm>>
      tpu.enqueue_indirect_dma source(%dma_start3A_116 : memref<10000x128xf32, #tpu.memory_space<hbm>>) target(%dma_start3A_110 : memref<128x128xf32, #tpu.memory_space<vmem>>) offsets(%dma_start3A_113 : memref<128xi32, #tpu.memory_space<vmem>>) semaphore(%arg12 : memref<!tpu.dma_semaphore, #tpu.memory_space<semaphore_mem>>)
    }
    %scan3A_32 = arith.constant 79 : i32
    %dma_wait3A = arith.constant 158 : i32
    %dma_wait3A_33 = arith.constant 0 : i32
    %dma_wait3A_34 = arith.constant 0 : i32
    %dma_wait3A_35 = arith.constant 0 : i32
    %dma_wait3A_36 = tpu.memref_slice %arg9[%dma_wait3A_33, %dma_wait3A_34, %dma_wait3A_35] : memref<2x128x128xf32, #tpu.memory_space<vmem>> -> memref<1x128x128xf32, #tpu.memory_space<vmem>>
    %dma_wait3A_37 = tpu.memref_squeeze %dma_wait3A_36 : memref<1x128x128xf32, #tpu.memory_space<vmem>> -> memref<128x128xf32, #tpu.memory_space<vmem>>
    %dma_wait3A_38 = arith.constant 0 : i32
    %dma_wait3A_39 = tpu.memref_slice %arg7[%dma_wait3A, %dma_wait3A_38] : memref<160x128xi32, #tpu.memory_space<vmem>> -> memref<1x128xi32, #tpu.memory_space<vmem>>
    %dma_wait3A_40 = tpu.memref_squeeze %dma_wait3A_39 : memref<1x128xi32, #tpu.memory_space<vmem>> -> memref<128xi32, #tpu.memory_space<vmem>>
    %dma_wait3A_41 = arith.constant 0 : i32
    %dma_wait3A_42 = arith.constant 0 : i32
    %dma_wait3A_43 = tpu.memref_slice %arg2[%dma_wait3A_41, %dma_wait3A_42] : memref<10000x128xf32, #tpu.memory_space<hbm>> -> memref<10000x128xf32, #tpu.memory_space<hbm>>
    tpu.wait_indirect_dma semaphore(%arg11 : memref<!tpu.dma_semaphore, #tpu.memory_space<semaphore_mem>>) src(%dma_wait3A_43 : memref<10000x128xf32, #tpu.memory_space<hbm>>) dst(%dma_wait3A_37 : memref<128x128xf32, #tpu.memory_space<vmem>>)
    %run_scoped3A = arith.constant 0 : i32
    %run_scoped3A_44 = arith.constant 158 : i32
    "tpu.region"() ({
      %run_scoped3A_64 = tpu.sem_alloc : memref<!tpu.dma_semaphore, #tpu.memory_space<semaphore_mem>>
      %dma_start3A_65 = arith.constant 0 : i32
      %dma_start3A_66 = arith.constant 0 : i32
      %dma_start3A_67 = tpu.memref_slice %arg9[%run_scoped3A, %dma_start3A_65, %dma_start3A_66] : memref<2x128x128xf32, #tpu.memory_space<vmem>> -> memref<1x128x128xf32, #tpu.memory_space<vmem>>
      %dma_start3A_68 = tpu.memref_squeeze %dma_start3A_67 : memref<1x128x128xf32, #tpu.memory_space<vmem>> -> memref<128x128xf32, #tpu.memory_space<vmem>>
      %dma_start3A_69 = arith.constant 0 : i32
      %dma_start3A_70 = tpu.memref_slice %arg8[%run_scoped3A_44, %dma_start3A_69] : memref<160x128xi32, #tpu.memory_space<vmem>> -> memref<1x128xi32, #tpu.memory_space<vmem>>
      %dma_start3A_71 = tpu.memref_squeeze %dma_start3A_70 : memref<1x128xi32, #tpu.memory_space<vmem>> -> memref<128xi32, #tpu.memory_space<vmem>>
      %dma_start3A_72 = arith.constant 0 : i32
      %dma_start3A_73 = arith.constant 0 : i32
      %dma_start3A_74 = tpu.memref_slice %arg10[%dma_start3A_72, %dma_start3A_73] : memref<5120x128xf32, #tpu.memory_space<vmem_shared>> -> memref<5120x128xf32, #tpu.memory_space<vmem_shared>>
      tpu.enqueue_indirect_dma source(%dma_start3A_68 : memref<128x128xf32, #tpu.memory_space<vmem>>) target(%dma_start3A_74 : memref<5120x128xf32, #tpu.memory_space<vmem_shared>>) offsets(%dma_start3A_71 : memref<128xi32, #tpu.memory_space<vmem>>) semaphore(%run_scoped3A_64 : memref<!tpu.dma_semaphore, #tpu.memory_space<semaphore_mem>>) {add = true}
      %dma_wait3A_75 = arith.constant 0 : i32
      %dma_wait3A_76 = arith.constant 0 : i32
      %dma_wait3A_77 = tpu.memref_slice %arg9[%run_scoped3A, %dma_wait3A_75, %dma_wait3A_76] : memref<2x128x128xf32, #tpu.memory_space<vmem>> -> memref<1x128x128xf32, #tpu.memory_space<vmem>>
      %dma_wait3A_78 = tpu.memref_squeeze %dma_wait3A_77 : memref<1x128x128xf32, #tpu.memory_space<vmem>> -> memref<128x128xf32, #tpu.memory_space<vmem>>
      %dma_wait3A_79 = arith.constant 0 : i32
      %dma_wait3A_80 = tpu.memref_slice %arg8[%run_scoped3A_44, %dma_wait3A_79] : memref<160x128xi32, #tpu.memory_space<vmem>> -> memref<1x128xi32, #tpu.memory_space<vmem>>
      %dma_wait3A_81 = tpu.memref_squeeze %dma_wait3A_80 : memref<1x128xi32, #tpu.memory_space<vmem>> -> memref<128xi32, #tpu.memory_space<vmem>>
      %dma_wait3A_82 = arith.constant 0 : i32
      %dma_wait3A_83 = arith.constant 0 : i32
      %dma_wait3A_84 = tpu.memref_slice %arg10[%dma_wait3A_82, %dma_wait3A_83] : memref<5120x128xf32, #tpu.memory_space<vmem_shared>> -> memref<5120x128xf32, #tpu.memory_space<vmem_shared>>
      tpu.wait_indirect_dma semaphore(%run_scoped3A_64 : memref<!tpu.dma_semaphore, #tpu.memory_space<semaphore_mem>>) src(%dma_wait3A_78 : memref<128x128xf32, #tpu.memory_space<vmem>>) dst(%dma_wait3A_84 : memref<5120x128xf32, #tpu.memory_space<vmem_shared>>)
      tpu.yield
    }) : () -> ()
    %dma_wait3A_45 = arith.constant 159 : i32
    %dma_wait3A_46 = arith.constant 1 : i32
    %dma_wait3A_47 = arith.constant 0 : i32
    %dma_wait3A_48 = arith.constant 0 : i32
    %dma_wait3A_49 = tpu.memref_slice %arg9[%dma_wait3A_46, %dma_wait3A_47, %dma_wait3A_48] : memref<2x128x128xf32, #tpu.memory_space<vmem>> -> memref<1x128x128xf32, #tpu.memory_space<vmem>>
    %dma_wait3A_50 = tpu.memref_squeeze %dma_wait3A_49 : memref<1x128x128xf32, #tpu.memory_space<vmem>> -> memref<128x128xf32, #tpu.memory_space<vmem>>
    %dma_wait3A_51 = arith.constant 0 : i32
    %dma_wait3A_52 = tpu.memref_slice %arg7[%dma_wait3A_45, %dma_wait3A_51] : memref<160x128xi32, #tpu.memory_space<vmem>> -> memref<1x128xi32, #tpu.memory_space<vmem>>
    %dma_wait3A_53 = tpu.memref_squeeze %dma_wait3A_52 : memref<1x128xi32, #tpu.memory_space<vmem>> -> memref<128xi32, #tpu.memory_space<vmem>>
    %dma_wait3A_54 = arith.constant 0 : i32
    %dma_wait3A_55 = arith.constant 0 : i32
    %dma_wait3A_56 = tpu.memref_slice %arg2[%dma_wait3A_54, %dma_wait3A_55] : memref<10000x128xf32, #tpu.memory_space<hbm>> -> memref<10000x128xf32, #tpu.memory_space<hbm>>
    tpu.wait_indirect_dma semaphore(%arg12 : memref<!tpu.dma_semaphore, #tpu.memory_space<semaphore_mem>>) src(%dma_wait3A_56 : memref<10000x128xf32, #tpu.memory_space<hbm>>) dst(%dma_wait3A_50 : memref<128x128xf32, #tpu.memory_space<vmem>>)
    %run_scoped3A_57 = arith.constant 1 : i32
    %run_scoped3A_58 = arith.constant 159 : i32
    "tpu.region"() ({
      %run_scoped3A_64 = tpu.sem_alloc : memref<!tpu.dma_semaphore, #tpu.memory_space<semaphore_mem>>
      %dma_start3A_65 = arith.constant 0 : i32
      %dma_start3A_66 = arith.constant 0 : i32
      %dma_start3A_67 = tpu.memref_slice %arg9[%run_scoped3A_57, %dma_start3A_65, %dma_start3A_66] : memref<2x128x128xf32, #tpu.memory_space<vmem>> -> memref<1x128x128xf32, #tpu.memory_space<vmem>>
      %dma_start3A_68 = tpu.memref_squeeze %dma_start3A_67 : memref<1x128x128xf32, #tpu.memory_space<vmem>> -> memref<128x128xf32, #tpu.memory_space<vmem>>
      %dma_start3A_69 = arith.constant 0 : i32
      %dma_start3A_70 = tpu.memref_slice %arg8[%run_scoped3A_58, %dma_start3A_69] : memref<160x128xi32, #tpu.memory_space<vmem>> -> memref<1x128xi32, #tpu.memory_space<vmem>>
      %dma_start3A_71 = tpu.memref_squeeze %dma_start3A_70 : memref<1x128xi32, #tpu.memory_space<vmem>> -> memref<128xi32, #tpu.memory_space<vmem>>
      %dma_start3A_72 = arith.constant 0 : i32
      %dma_start3A_73 = arith.constant 0 : i32
      %dma_start3A_74 = tpu.memref_slice %arg10[%dma_start3A_72, %dma_start3A_73] : memref<5120x128xf32, #tpu.memory_space<vmem_shared>> -> memref<5120x128xf32, #tpu.memory_space<vmem_shared>>
      tpu.enqueue_indirect_dma source(%dma_start3A_68 : memref<128x128xf32, #tpu.memory_space<vmem>>) target(%dma_start3A_74 : memref<5120x128xf32, #tpu.memory_space<vmem_shared>>) offsets(%dma_start3A_71 : memref<128xi32, #tpu.memory_space<vmem>>) semaphore(%run_scoped3A_64 : memref<!tpu.dma_semaphore, #tpu.memory_space<semaphore_mem>>) {add = true}
      %dma_wait3A_75 = arith.constant 0 : i32
      %dma_wait3A_76 = arith.constant 0 : i32
      %dma_wait3A_77 = tpu.memref_slice %arg9[%run_scoped3A_57, %dma_wait3A_75, %dma_wait3A_76] : memref<2x128x128xf32, #tpu.memory_space<vmem>> -> memref<1x128x128xf32, #tpu.memory_space<vmem>>
      %dma_wait3A_78 = tpu.memref_squeeze %dma_wait3A_77 : memref<1x128x128xf32, #tpu.memory_space<vmem>> -> memref<128x128xf32, #tpu.memory_space<vmem>>
      %dma_wait3A_79 = arith.constant 0 : i32
      %dma_wait3A_80 = tpu.memref_slice %arg8[%run_scoped3A_58, %dma_wait3A_79] : memref<160x128xi32, #tpu.memory_space<vmem>> -> memref<1x128xi32, #tpu.memory_space<vmem>>
      %dma_wait3A_81 = tpu.memref_squeeze %dma_wait3A_80 : memref<1x128xi32, #tpu.memory_space<vmem>> -> memref<128xi32, #tpu.memory_space<vmem>>
      %dma_wait3A_82 = arith.constant 0 : i32
      %dma_wait3A_83 = arith.constant 0 : i32
      %dma_wait3A_84 = tpu.memref_slice %arg10[%dma_wait3A_82, %dma_wait3A_83] : memref<5120x128xf32, #tpu.memory_space<vmem_shared>> -> memref<5120x128xf32, #tpu.memory_space<vmem_shared>>
      tpu.wait_indirect_dma semaphore(%run_scoped3A_64 : memref<!tpu.dma_semaphore, #tpu.memory_space<semaphore_mem>>) src(%dma_wait3A_78 : memref<128x128xf32, #tpu.memory_space<vmem>>) dst(%dma_wait3A_84 : memref<5120x128xf32, #tpu.memory_space<vmem_shared>>)
      tpu.yield
    }) : () -> ()
    %barrier3A_59 = arith.constant 0 : index
    tpu.barrier barrier_id(%barrier3A_59)
    %mul3A_60 = arith.constant 320 : i32
    %mul3A_61 = arith.muli %arg1, %mul3A_60 : i32
    %mul3A_62 = arith.constant 320 : i32
    %mul3A_63 = arith.muli %arg1, %mul3A_62 : i32
    "tpu.region"() ({
      %run_scoped3A_64 = tpu.sem_alloc : memref<!tpu.dma_semaphore, #tpu.memory_space<semaphore_mem>>
      %dma_start3A_65 = arith.constant 0 : i32
      %dma_start3A_66 = tpu.memref_slice %arg6[%arg0, %mul3A_63, %dma_start3A_65] : memref<2x5120x128xf32, #tpu.memory_space<hbm>> -> memref<1x320x128xf32, #tpu.memory_space<hbm>>
      %dma_start3A_67 = tpu.memref_squeeze %dma_start3A_66 : memref<1x320x128xf32, #tpu.memory_space<hbm>> -> memref<320x128xf32, #tpu.memory_space<hbm>>
      %dma_start3A_68 = arith.constant 0 : i32
      %dma_start3A_69 = tpu.memref_slice %arg10[%mul3A_61, %dma_start3A_68] : memref<5120x128xf32, #tpu.memory_space<vmem_shared>> -> memref<320x128xf32, #tpu.memory_space<vmem_shared>>
      tpu.enqueue_dma source(%dma_start3A_69 : memref<320x128xf32, #tpu.memory_space<vmem_shared>>) target(%dma_start3A_67 : memref<320x128xf32, #tpu.memory_space<hbm>>) target_semaphore(%run_scoped3A_64 : memref<!tpu.dma_semaphore, #tpu.memory_space<semaphore_mem>>)
      %dma_wait3A_70 = arith.constant 0 : i32
      %dma_wait3A_71 = tpu.memref_slice %arg6[%arg0, %mul3A_63, %dma_wait3A_70] : memref<2x5120x128xf32, #tpu.memory_space<hbm>> -> memref<1x320x128xf32, #tpu.memory_space<hbm>>
      %dma_wait3A_72 = tpu.memref_squeeze %dma_wait3A_71 : memref<1x320x128xf32, #tpu.memory_space<hbm>> -> memref<320x128xf32, #tpu.memory_space<hbm>>
      %dma_wait3A_73 = arith.constant 0 : i32
      %dma_wait3A_74 = tpu.memref_slice %arg10[%mul3A_61, %dma_wait3A_73] : memref<5120x128xf32, #tpu.memory_space<vmem_shared>> -> memref<320x128xf32, #tpu.memory_space<vmem_shared>>
      tpu.wait_dma2 semaphore(%run_scoped3A_64 : memref<!tpu.dma_semaphore, #tpu.memory_space<semaphore_mem>>) src(%dma_wait3A_74 : memref<320x128xf32, #tpu.memory_space<vmem_shared>>) dst(%dma_wait3A_72 : memref<320x128xf32, #tpu.memory_space<hbm>>)
      tpu.yield
    }) : () -> ()
    return
  }
}

#map = affine_map<(d0, d1) -> (0, 0)>
#map1 = affine_map<(d0, d1) -> (0, 0, 0)>
module attributes {stable_mosaic.version = 14 : i64} {
  func.func @_seg_sum_body(%arg0: i32, %arg1: i32, %arg2: memref<10000x128xf32, #tpu.memory_space<hbm>>, %arg3: memref<16x160x128xi32, #tpu.memory_space<hbm>>, %arg4: memref<32x160x128xi32, #tpu.memory_space<hbm>>, %arg5: memref<320x128xf32, #tpu.memory_space<hbm>>, %arg6: memref<2x5120x128xf32, #tpu.memory_space<hbm>>, %arg7: memref<160x128xi32, #tpu.memory_space<vmem>>, %arg8: memref<160x128xi32, #tpu.memory_space<vmem>>, %arg9: memref<2x128x128xf32, #tpu.memory_space<vmem>>, %arg10: memref<5120x128xf32, #tpu.memory_space<vmem_shared>>, %arg11: memref<!tpu.dma_semaphore, #tpu.memory_space<semaphore_mem>>, %arg12: memref<!tpu.dma_semaphore, #tpu.memory_space<semaphore_mem>>) attributes {dimension_semantics = [#tpu.dimension_semantics<core_parallel>, #tpu.dimension_semantics<subcore_parallel>], iteration_bounds = array<i64: 2, 16>, scalar_prefetch = 0 : i64, scratch_operands = 6 : i64, tpu.core_type = #tpu.core_type<sc_vector_subcore>, window_params = [{transform_indices = #map}, {transform_indices = #map1}, {transform_indices = #map1}, {transform_indices = #map}, {transform_indices = #map1}]} {
    "tpu.region"() ({
      %run_scoped3A_64 = tpu.sem_alloc : memref<!tpu.dma_semaphore, #tpu.memory_space<semaphore_mem>>
      %dma_start3A_65 = arith.constant 0 : i32
      %dma_start3A_66 = arith.constant 0 : i32
      %dma_start3A_67 = tpu.memref_slice %arg3[%arg1, %dma_start3A_65, %dma_start3A_66] : memref<16x160x128xi32, #tpu.memory_space<hbm>> -> memref<1x160x128xi32, #tpu.memory_space<hbm>>
      %dma_start3A_68 = tpu.memref_squeeze %dma_start3A_67 : memref<1x160x128xi32, #tpu.memory_space<hbm>> -> memref<160x128xi32, #tpu.memory_space<hbm>>
      %dma_start3A_69 = arith.constant 0 : i32
      %dma_start3A_70 = arith.constant 0 : i32
      %dma_start3A_71 = tpu.memref_slice %arg3[%arg1, %dma_start3A_69, %dma_start3A_70] : memref<16x160x128xi32, #tpu.memory_space<hbm>> -> memref<1x160x128xi32, #tpu.memory_space<hbm>>
      %dma_start3A_72 = tpu.memref_squeeze %dma_start3A_71 : memref<1x160x128xi32, #tpu.memory_space<hbm>> -> memref<160x128xi32, #tpu.memory_space<hbm>>
      tpu.enqueue_dma source(%dma_start3A_72 : memref<160x128xi32, #tpu.memory_space<hbm>>) target(%arg7 : memref<160x128xi32, #tpu.memory_space<vmem>>) target_semaphore(%run_scoped3A_64 : memref<!tpu.dma_semaphore, #tpu.memory_space<semaphore_mem>>)
      %dma_wait3A_73 = arith.constant 0 : i32
      %dma_wait3A_74 = arith.constant 0 : i32
      %dma_wait3A_75 = tpu.memref_slice %arg3[%arg1, %dma_wait3A_73, %dma_wait3A_74] : memref<16x160x128xi32, #tpu.memory_space<hbm>> -> memref<1x160x128xi32, #tpu.memory_space<hbm>>
      %dma_wait3A_76 = tpu.memref_squeeze %dma_wait3A_75 : memref<1x160x128xi32, #tpu.memory_space<hbm>> -> memref<160x128xi32, #tpu.memory_space<hbm>>
      %dma_wait3A_77 = arith.constant 0 : i32
      %dma_wait3A_78 = arith.constant 0 : i32
      %dma_wait3A_79 = tpu.memref_slice %arg3[%arg1, %dma_wait3A_77, %dma_wait3A_78] : memref<16x160x128xi32, #tpu.memory_space<hbm>> -> memref<1x160x128xi32, #tpu.memory_space<hbm>>
      %dma_wait3A_80 = tpu.memref_squeeze %dma_wait3A_79 : memref<1x160x128xi32, #tpu.memory_space<hbm>> -> memref<160x128xi32, #tpu.memory_space<hbm>>
      tpu.wait_dma2 semaphore(%run_scoped3A_64 : memref<!tpu.dma_semaphore, #tpu.memory_space<semaphore_mem>>) src(%dma_wait3A_80 : memref<160x128xi32, #tpu.memory_space<hbm>>) dst(%arg7 : memref<160x128xi32, #tpu.memory_space<vmem>>)
      tpu.yield
    }) : () -> ()
    %mul3A = arith.constant 16 : i32
    %mul3A_0 = arith.muli %arg0, %mul3A : i32
    %add3A = arith.addi %mul3A_0, %arg1 : i32
    "tpu.region"() ({
      %run_scoped3A_64 = tpu.sem_alloc : memref<!tpu.dma_semaphore, #tpu.memory_space<semaphore_mem>>
      %dma_start3A_65 = arith.constant 0 : i32
      %dma_start3A_66 = arith.constant 0 : i32
      %dma_start3A_67 = tpu.memref_slice %arg4[%add3A, %dma_start3A_65, %dma_start3A_66] : memref<32x160x128xi32, #tpu.memory_space<hbm>> -> memref<1x160x128xi32, #tpu.memory_space<hbm>>
      %dma_start3A_68 = tpu.memref_squeeze %dma_start3A_67 : memref<1x160x128xi32, #tpu.memory_space<hbm>> -> memref<160x128xi32, #tpu.memory_space<hbm>>
      %dma_start3A_69 = arith.constant 0 : i32
      %dma_start3A_70 = arith.constant 0 : i32
      %dma_start3A_71 = tpu.memref_slice %arg4[%add3A, %dma_start3A_69, %dma_start3A_70] : memref<32x160x128xi32, #tpu.memory_space<hbm>> -> memref<1x160x128xi32, #tpu.memory_space<hbm>>
      %dma_start3A_72 = tpu.memref_squeeze %dma_start3A_71 : memref<1x160x128xi32, #tpu.memory_space<hbm>> -> memref<160x128xi32, #tpu.memory_space<hbm>>
      tpu.enqueue_dma source(%dma_start3A_72 : memref<160x128xi32, #tpu.memory_space<hbm>>) target(%arg8 : memref<160x128xi32, #tpu.memory_space<vmem>>) target_semaphore(%run_scoped3A_64 : memref<!tpu.dma_semaphore, #tpu.memory_space<semaphore_mem>>)
      %dma_wait3A_73 = arith.constant 0 : i32
      %dma_wait3A_74 = arith.constant 0 : i32
      %dma_wait3A_75 = tpu.memref_slice %arg4[%add3A, %dma_wait3A_73, %dma_wait3A_74] : memref<32x160x128xi32, #tpu.memory_space<hbm>> -> memref<1x160x128xi32, #tpu.memory_space<hbm>>
      %dma_wait3A_76 = tpu.memref_squeeze %dma_wait3A_75 : memref<1x160x128xi32, #tpu.memory_space<hbm>> -> memref<160x128xi32, #tpu.memory_space<hbm>>
      %dma_wait3A_77 = arith.constant 0 : i32
      %dma_wait3A_78 = arith.constant 0 : i32
      %dma_wait3A_79 = tpu.memref_slice %arg4[%add3A, %dma_wait3A_77, %dma_wait3A_78] : memref<32x160x128xi32, #tpu.memory_space<hbm>> -> memref<1x160x128xi32, #tpu.memory_space<hbm>>
      %dma_wait3A_80 = tpu.memref_squeeze %dma_wait3A_79 : memref<1x160x128xi32, #tpu.memory_space<hbm>> -> memref<160x128xi32, #tpu.memory_space<hbm>>
      tpu.wait_dma2 semaphore(%run_scoped3A_64 : memref<!tpu.dma_semaphore, #tpu.memory_space<semaphore_mem>>) src(%dma_wait3A_80 : memref<160x128xi32, #tpu.memory_space<hbm>>) dst(%arg8 : memref<160x128xi32, #tpu.memory_space<vmem>>)
      tpu.yield
    }) : () -> ()
    %dma_start3A = arith.constant 0 : i32
    %dma_start3A_1 = arith.constant 0 : i32
    %dma_start3A_2 = arith.constant 0 : i32
    %dma_start3A_3 = arith.constant 0 : i32
    %dma_start3A_4 = tpu.memref_slice %arg9[%dma_start3A_1, %dma_start3A_2, %dma_start3A_3] : memref<2x128x128xf32, #tpu.memory_space<vmem>> -> memref<1x128x128xf32, #tpu.memory_space<vmem>>
    %dma_start3A_5 = tpu.memref_squeeze %dma_start3A_4 : memref<1x128x128xf32, #tpu.memory_space<vmem>> -> memref<128x128xf32, #tpu.memory_space<vmem>>
    %dma_start3A_6 = arith.constant 0 : i32
    %dma_start3A_7 = tpu.memref_slice %arg7[%dma_start3A, %dma_start3A_6] : memref<160x128xi32, #tpu.memory_space<vmem>> -> memref<1x128xi32, #tpu.memory_space<vmem>>
    %dma_start3A_8 = tpu.memref_squeeze %dma_start3A_7 : memref<1x128xi32, #tpu.memory_space<vmem>> -> memref<128xi32, #tpu.memory_space<vmem>>
    %dma_start3A_9 = arith.constant 0 : i32
    %dma_start3A_10 = arith.constant 0 : i32
    %dma_start3A_11 = tpu.memref_slice %arg2[%dma_start3A_9, %dma_start3A_10] : memref<10000x128xf32, #tpu.memory_space<hbm>> -> memref<10000x128xf32, #tpu.memory_space<hbm>>
    tpu.enqueue_indirect_dma source(%dma_start3A_11 : memref<10000x128xf32, #tpu.memory_space<hbm>>) target(%dma_start3A_5 : memref<128x128xf32, #tpu.memory_space<vmem>>) offsets(%dma_start3A_8 : memref<128xi32, #tpu.memory_space<vmem>>) semaphore(%arg11 : memref<!tpu.dma_semaphore, #tpu.memory_space<semaphore_mem>>)
    %dma_start3A_12 = arith.constant 1 : i32
    %dma_start3A_13 = arith.constant 1 : i32
    %dma_start3A_14 = arith.constant 0 : i32
    %dma_start3A_15 = arith.constant 0 : i32
    %dma_start3A_16 = tpu.memref_slice %arg9[%dma_start3A_13, %dma_start3A_14, %dma_start3A_15] : memref<2x128x128xf32, #tpu.memory_space<vmem>> -> memref<1x128x128xf32, #tpu.memory_space<vmem>>
    %dma_start3A_17 = tpu.memref_squeeze %dma_start3A_16 : memref<1x128x128xf32, #tpu.memory_space<vmem>> -> memref<128x128xf32, #tpu.memory_space<vmem>>
    %dma_start3A_18 = arith.constant 0 : i32
    %dma_start3A_19 = tpu.memref_slice %arg7[%dma_start3A_12, %dma_start3A_18] : memref<160x128xi32, #tpu.memory_space<vmem>> -> memref<1x128xi32, #tpu.memory_space<vmem>>
    %dma_start3A_20 = tpu.memref_squeeze %dma_start3A_19 : memref<1x128xi32, #tpu.memory_space<vmem>> -> memref<128xi32, #tpu.memory_space<vmem>>
    %dma_start3A_21 = arith.constant 0 : i32
    %dma_start3A_22 = arith.constant 0 : i32
    %dma_start3A_23 = tpu.memref_slice %arg2[%dma_start3A_21, %dma_start3A_22] : memref<10000x128xf32, #tpu.memory_space<hbm>> -> memref<10000x128xf32, #tpu.memory_space<hbm>>
    tpu.enqueue_indirect_dma source(%dma_start3A_23 : memref<10000x128xf32, #tpu.memory_space<hbm>>) target(%dma_start3A_17 : memref<128x128xf32, #tpu.memory_space<vmem>>) offsets(%dma_start3A_20 : memref<128xi32, #tpu.memory_space<vmem>>) semaphore(%arg12 : memref<!tpu.dma_semaphore, #tpu.memory_space<semaphore_mem>>)
    %mul3A_24 = arith.constant 320 : i32
    %mul3A_25 = arith.muli %arg1, %mul3A_24 : i32
    "tpu.region"() ({
      %run_scoped3A_64 = tpu.sem_alloc : memref<!tpu.dma_semaphore, #tpu.memory_space<semaphore_mem>>
      %dma_start3A_65 = arith.constant 0 : i32
      %dma_start3A_66 = tpu.memref_slice %arg10[%mul3A_25, %dma_start3A_65] : memref<5120x128xf32, #tpu.memory_space<vmem_shared>> -> memref<320x128xf32, #tpu.memory_space<vmem_shared>>
      tpu.enqueue_dma source(%arg5 : memref<320x128xf32, #tpu.memory_space<hbm>>) target(%dma_start3A_66 : memref<320x128xf32, #tpu.memory_space<vmem_shared>>) target_semaphore(%run_scoped3A_64 : memref<!tpu.dma_semaphore, #tpu.memory_space<semaphore_mem>>)
      %dma_wait3A_67 = arith.constant 0 : i32
      %dma_wait3A_68 = tpu.memref_slice %arg10[%mul3A_25, %dma_wait3A_67] : memref<5120x128xf32, #tpu.memory_space<vmem_shared>> -> memref<320x128xf32, #tpu.memory_space<vmem_shared>>
      tpu.wait_dma2 semaphore(%run_scoped3A_64 : memref<!tpu.dma_semaphore, #tpu.memory_space<semaphore_mem>>) src(%arg5 : memref<320x128xf32, #tpu.memory_space<hbm>>) dst(%dma_wait3A_68 : memref<320x128xf32, #tpu.memory_space<vmem_shared>>)
      tpu.yield
    }) : () -> ()
    %barrier3A = arith.constant 0 : index
    tpu.barrier barrier_id(%barrier3A)
    %scan3A = arith.constant 0 : i32
    %scan3A_26 = arith.constant 0 : i32
    %scan3A_27 = arith.constant 1 : i32
    %scan3A_28 = arith.constant 0 : i32
    %scan3A_29 = arith.constant 79 : i32
    %scan3A_30 = arith.addi %scan3A_28, %scan3A_29 : i32
    %scan3A_31 = arith.constant 1 : i32
    scf.for %scan3A_64 = %scan3A_28 to %scan3A_30 step %scan3A_31  : i32 {
      %mul3A_65 = arith.constant 2 : i32
      %mul3A_66 = arith.muli %scan3A_64, %mul3A_65 : i32
      %add3A_67 = arith.constant 0 : i32
      %add3A_68 = arith.addi %mul3A_66, %add3A_67 : i32
      %dma_wait3A_69 = arith.constant 0 : i32
      %dma_wait3A_70 = arith.constant 0 : i32
      %dma_wait3A_71 = tpu.memref_slice %arg9[%scan3A_26, %dma_wait3A_69, %dma_wait3A_70] : memref<2x128x128xf32, #tpu.memory_space<vmem>> -> memref<1x128x128xf32, #tpu.memory_space<vmem>>
      %dma_wait3A_72 = tpu.memref_squeeze %dma_wait3A_71 : memref<1x128x128xf32, #tpu.memory_space<vmem>> -> memref<128x128xf32, #tpu.memory_space<vmem>>
      %dma_wait3A_73 = arith.constant 0 : i32
      %dma_wait3A_74 = tpu.memref_slice %arg7[%add3A_68, %dma_wait3A_73] : memref<160x128xi32, #tpu.memory_space<vmem>> -> memref<1x128xi32, #tpu.memory_space<vmem>>
      %dma_wait3A_75 = tpu.memref_squeeze %dma_wait3A_74 : memref<1x128xi32, #tpu.memory_space<vmem>> -> memref<128xi32, #tpu.memory_space<vmem>>
      %dma_wait3A_76 = arith.constant 0 : i32
      %dma_wait3A_77 = arith.constant 0 : i32
      %dma_wait3A_78 = tpu.memref_slice %arg2[%dma_wait3A_76, %dma_wait3A_77] : memref<10000x128xf32, #tpu.memory_space<hbm>> -> memref<10000x128xf32, #tpu.memory_space<hbm>>
      tpu.wait_indirect_dma semaphore(%arg11 : memref<!tpu.dma_semaphore, #tpu.memory_space<semaphore_mem>>) src(%dma_wait3A_78 : memref<10000x128xf32, #tpu.memory_space<hbm>>) dst(%dma_wait3A_72 : memref<128x128xf32, #tpu.memory_space<vmem>>)
      "tpu.region"() ({
        %run_scoped3A_117 = tpu.sem_alloc : memref<!tpu.dma_semaphore, #tpu.memory_space<semaphore_mem>>
        %dma_start3A_118 = arith.constant 0 : i32
        %dma_start3A_119 = arith.constant 0 : i32
        %dma_start3A_120 = tpu.memref_slice %arg9[%scan3A_26, %dma_start3A_118, %dma_start3A_119] : memref<2x128x128xf32, #tpu.memory_space<vmem>> -> memref<1x128x128xf32, #tpu.memory_space<vmem>>
        %dma_start3A_121 = tpu.memref_squeeze %dma_start3A_120 : memref<1x128x128xf32, #tpu.memory_space<vmem>> -> memref<128x128xf32, #tpu.memory_space<vmem>>
        %dma_start3A_122 = arith.constant 0 : i32
        %dma_start3A_123 = tpu.memref_slice %arg8[%add3A_68, %dma_start3A_122] : memref<160x128xi32, #tpu.memory_space<vmem>> -> memref<1x128xi32, #tpu.memory_space<vmem>>
        %dma_start3A_124 = tpu.memref_squeeze %dma_start3A_123 : memref<1x128xi32, #tpu.memory_space<vmem>> -> memref<128xi32, #tpu.memory_space<vmem>>
        %dma_start3A_125 = arith.constant 0 : i32
        %dma_start3A_126 = arith.constant 0 : i32
        %dma_start3A_127 = tpu.memref_slice %arg10[%dma_start3A_125, %dma_start3A_126] : memref<5120x128xf32, #tpu.memory_space<vmem_shared>> -> memref<5120x128xf32, #tpu.memory_space<vmem_shared>>
        tpu.enqueue_indirect_dma source(%dma_start3A_121 : memref<128x128xf32, #tpu.memory_space<vmem>>) target(%dma_start3A_127 : memref<5120x128xf32, #tpu.memory_space<vmem_shared>>) offsets(%dma_start3A_124 : memref<128xi32, #tpu.memory_space<vmem>>) semaphore(%run_scoped3A_117 : memref<!tpu.dma_semaphore, #tpu.memory_space<semaphore_mem>>) {add = true}
        %dma_wait3A_128 = arith.constant 0 : i32
        %dma_wait3A_129 = arith.constant 0 : i32
        %dma_wait3A_130 = tpu.memref_slice %arg9[%scan3A_26, %dma_wait3A_128, %dma_wait3A_129] : memref<2x128x128xf32, #tpu.memory_space<vmem>> -> memref<1x128x128xf32, #tpu.memory_space<vmem>>
        %dma_wait3A_131 = tpu.memref_squeeze %dma_wait3A_130 : memref<1x128x128xf32, #tpu.memory_space<vmem>> -> memref<128x128xf32, #tpu.memory_space<vmem>>
        %dma_wait3A_132 = arith.constant 0 : i32
        %dma_wait3A_133 = tpu.memref_slice %arg8[%add3A_68, %dma_wait3A_132] : memref<160x128xi32, #tpu.memory_space<vmem>> -> memref<1x128xi32, #tpu.memory_space<vmem>>
        %dma_wait3A_134 = tpu.memref_squeeze %dma_wait3A_133 : memref<1x128xi32, #tpu.memory_space<vmem>> -> memref<128xi32, #tpu.memory_space<vmem>>
        %dma_wait3A_135 = arith.constant 0 : i32
        %dma_wait3A_136 = arith.constant 0 : i32
        %dma_wait3A_137 = tpu.memref_slice %arg10[%dma_wait3A_135, %dma_wait3A_136] : memref<5120x128xf32, #tpu.memory_space<vmem_shared>> -> memref<5120x128xf32, #tpu.memory_space<vmem_shared>>
        tpu.wait_indirect_dma semaphore(%run_scoped3A_117 : memref<!tpu.dma_semaphore, #tpu.memory_space<semaphore_mem>>) src(%dma_wait3A_131 : memref<128x128xf32, #tpu.memory_space<vmem>>) dst(%dma_wait3A_137 : memref<5120x128xf32, #tpu.memory_space<vmem_shared>>)
        tpu.yield
      }) : () -> ()
      %add3A_79 = arith.constant 2 : i32
      %add3A_80 = arith.addi %add3A_68, %add3A_79 : i32
      %dma_start3A_81 = arith.constant 0 : i32
      %dma_start3A_82 = arith.constant 0 : i32
      %dma_start3A_83 = tpu.memref_slice %arg9[%scan3A_26, %dma_start3A_81, %dma_start3A_82] : memref<2x128x128xf32, #tpu.memory_space<vmem>> -> memref<1x128x128xf32, #tpu.memory_space<vmem>>
      %dma_start3A_84 = tpu.memref_squeeze %dma_start3A_83 : memref<1x128x128xf32, #tpu.memory_space<vmem>> -> memref<128x128xf32, #tpu.memory_space<vmem>>
      %dma_start3A_85 = arith.constant 0 : i32
      %dma_start3A_86 = tpu.memref_slice %arg7[%add3A_80, %dma_start3A_85] : memref<160x128xi32, #tpu.memory_space<vmem>> -> memref<1x128xi32, #tpu.memory_space<vmem>>
      %dma_start3A_87 = tpu.memref_squeeze %dma_start3A_86 : memref<1x128xi32, #tpu.memory_space<vmem>> -> memref<128xi32, #tpu.memory_space<vmem>>
      %dma_start3A_88 = arith.constant 0 : i32
      %dma_start3A_89 = arith.constant 0 : i32
      %dma_start3A_90 = tpu.memref_slice %arg2[%dma_start3A_88, %dma_start3A_89] : memref<10000x128xf32, #tpu.memory_space<hbm>> -> memref<10000x128xf32, #tpu.memory_space<hbm>>
      tpu.enqueue_indirect_dma source(%dma_start3A_90 : memref<10000x128xf32, #tpu.memory_space<hbm>>) target(%dma_start3A_84 : memref<128x128xf32, #tpu.memory_space<vmem>>) offsets(%dma_start3A_87 : memref<128xi32, #tpu.memory_space<vmem>>) semaphore(%arg11 : memref<!tpu.dma_semaphore, #tpu.memory_space<semaphore_mem>>)
      %mul3A_91 = arith.constant 2 : i32
      %mul3A_92 = arith.muli %scan3A_64, %mul3A_91 : i32
      %add3A_93 = arith.constant 1 : i32
      %add3A_94 = arith.addi %mul3A_92, %add3A_93 : i32
      %dma_wait3A_95 = arith.constant 0 : i32
      %dma_wait3A_96 = arith.constant 0 : i32
      %dma_wait3A_97 = tpu.memref_slice %arg9[%scan3A_27, %dma_wait3A_95, %dma_wait3A_96] : memref<2x128x128xf32, #tpu.memory_space<vmem>> -> memref<1x128x128xf32, #tpu.memory_space<vmem>>
      %dma_wait3A_98 = tpu.memref_squeeze %dma_wait3A_97 : memref<1x128x128xf32, #tpu.memory_space<vmem>> -> memref<128x128xf32, #tpu.memory_space<vmem>>
      %dma_wait3A_99 = arith.constant 0 : i32
      %dma_wait3A_100 = tpu.memref_slice %arg7[%add3A_94, %dma_wait3A_99] : memref<160x128xi32, #tpu.memory_space<vmem>> -> memref<1x128xi32, #tpu.memory_space<vmem>>
      %dma_wait3A_101 = tpu.memref_squeeze %dma_wait3A_100 : memref<1x128xi32, #tpu.memory_space<vmem>> -> memref<128xi32, #tpu.memory_space<vmem>>
      %dma_wait3A_102 = arith.constant 0 : i32
      %dma_wait3A_103 = arith.constant 0 : i32
      %dma_wait3A_104 = tpu.memref_slice %arg2[%dma_wait3A_102, %dma_wait3A_103] : memref<10000x128xf32, #tpu.memory_space<hbm>> -> memref<10000x128xf32, #tpu.memory_space<hbm>>
      tpu.wait_indirect_dma semaphore(%arg12 : memref<!tpu.dma_semaphore, #tpu.memory_space<semaphore_mem>>) src(%dma_wait3A_104 : memref<10000x128xf32, #tpu.memory_space<hbm>>) dst(%dma_wait3A_98 : memref<128x128xf32, #tpu.memory_space<vmem>>)
      "tpu.region"() ({
        %run_scoped3A_117 = tpu.sem_alloc : memref<!tpu.dma_semaphore, #tpu.memory_space<semaphore_mem>>
        %dma_start3A_118 = arith.constant 0 : i32
        %dma_start3A_119 = arith.constant 0 : i32
        %dma_start3A_120 = tpu.memref_slice %arg9[%scan3A_27, %dma_start3A_118, %dma_start3A_119] : memref<2x128x128xf32, #tpu.memory_space<vmem>> -> memref<1x128x128xf32, #tpu.memory_space<vmem>>
        %dma_start3A_121 = tpu.memref_squeeze %dma_start3A_120 : memref<1x128x128xf32, #tpu.memory_space<vmem>> -> memref<128x128xf32, #tpu.memory_space<vmem>>
        %dma_start3A_122 = arith.constant 0 : i32
        %dma_start3A_123 = tpu.memref_slice %arg8[%add3A_94, %dma_start3A_122] : memref<160x128xi32, #tpu.memory_space<vmem>> -> memref<1x128xi32, #tpu.memory_space<vmem>>
        %dma_start3A_124 = tpu.memref_squeeze %dma_start3A_123 : memref<1x128xi32, #tpu.memory_space<vmem>> -> memref<128xi32, #tpu.memory_space<vmem>>
        %dma_start3A_125 = arith.constant 0 : i32
        %dma_start3A_126 = arith.constant 0 : i32
        %dma_start3A_127 = tpu.memref_slice %arg10[%dma_start3A_125, %dma_start3A_126] : memref<5120x128xf32, #tpu.memory_space<vmem_shared>> -> memref<5120x128xf32, #tpu.memory_space<vmem_shared>>
        tpu.enqueue_indirect_dma source(%dma_start3A_121 : memref<128x128xf32, #tpu.memory_space<vmem>>) target(%dma_start3A_127 : memref<5120x128xf32, #tpu.memory_space<vmem_shared>>) offsets(%dma_start3A_124 : memref<128xi32, #tpu.memory_space<vmem>>) semaphore(%run_scoped3A_117 : memref<!tpu.dma_semaphore, #tpu.memory_space<semaphore_mem>>) {add = true}
        %dma_wait3A_128 = arith.constant 0 : i32
        %dma_wait3A_129 = arith.constant 0 : i32
        %dma_wait3A_130 = tpu.memref_slice %arg9[%scan3A_27, %dma_wait3A_128, %dma_wait3A_129] : memref<2x128x128xf32, #tpu.memory_space<vmem>> -> memref<1x128x128xf32, #tpu.memory_space<vmem>>
        %dma_wait3A_131 = tpu.memref_squeeze %dma_wait3A_130 : memref<1x128x128xf32, #tpu.memory_space<vmem>> -> memref<128x128xf32, #tpu.memory_space<vmem>>
        %dma_wait3A_132 = arith.constant 0 : i32
        %dma_wait3A_133 = tpu.memref_slice %arg8[%add3A_94, %dma_wait3A_132] : memref<160x128xi32, #tpu.memory_space<vmem>> -> memref<1x128xi32, #tpu.memory_space<vmem>>
        %dma_wait3A_134 = tpu.memref_squeeze %dma_wait3A_133 : memref<1x128xi32, #tpu.memory_space<vmem>> -> memref<128xi32, #tpu.memory_space<vmem>>
        %dma_wait3A_135 = arith.constant 0 : i32
        %dma_wait3A_136 = arith.constant 0 : i32
        %dma_wait3A_137 = tpu.memref_slice %arg10[%dma_wait3A_135, %dma_wait3A_136] : memref<5120x128xf32, #tpu.memory_space<vmem_shared>> -> memref<5120x128xf32, #tpu.memory_space<vmem_shared>>
        tpu.wait_indirect_dma semaphore(%run_scoped3A_117 : memref<!tpu.dma_semaphore, #tpu.memory_space<semaphore_mem>>) src(%dma_wait3A_131 : memref<128x128xf32, #tpu.memory_space<vmem>>) dst(%dma_wait3A_137 : memref<5120x128xf32, #tpu.memory_space<vmem_shared>>)
        tpu.yield
      }) : () -> ()
      %add3A_105 = arith.constant 2 : i32
      %add3A_106 = arith.addi %add3A_94, %add3A_105 : i32
      %dma_start3A_107 = arith.constant 0 : i32
      %dma_start3A_108 = arith.constant 0 : i32
      %dma_start3A_109 = tpu.memref_slice %arg9[%scan3A_27, %dma_start3A_107, %dma_start3A_108] : memref<2x128x128xf32, #tpu.memory_space<vmem>> -> memref<1x128x128xf32, #tpu.memory_space<vmem>>
      %dma_start3A_110 = tpu.memref_squeeze %dma_start3A_109 : memref<1x128x128xf32, #tpu.memory_space<vmem>> -> memref<128x128xf32, #tpu.memory_space<vmem>>
      %dma_start3A_111 = arith.constant 0 : i32
      %dma_start3A_112 = tpu.memref_slice %arg7[%add3A_106, %dma_start3A_111] : memref<160x128xi32, #tpu.memory_space<vmem>> -> memref<1x128xi32, #tpu.memory_space<vmem>>
      %dma_start3A_113 = tpu.memref_squeeze %dma_start3A_112 : memref<1x128xi32, #tpu.memory_space<vmem>> -> memref<128xi32, #tpu.memory_space<vmem>>
      %dma_start3A_114 = arith.constant 0 : i32
      %dma_start3A_115 = arith.constant 0 : i32
      %dma_start3A_116 = tpu.memref_slice %arg2[%dma_start3A_114, %dma_start3A_115] : memref<10000x128xf32, #tpu.memory_space<hbm>> -> memref<10000x128xf32, #tpu.memory_space<hbm>>
      tpu.enqueue_indirect_dma source(%dma_start3A_116 : memref<10000x128xf32, #tpu.memory_space<hbm>>) target(%dma_start3A_110 : memref<128x128xf32, #tpu.memory_space<vmem>>) offsets(%dma_start3A_113 : memref<128xi32, #tpu.memory_space<vmem>>) semaphore(%arg12 : memref<!tpu.dma_semaphore, #tpu.memory_space<semaphore_mem>>)
    }
    %scan3A_32 = arith.constant 79 : i32
    %dma_wait3A = arith.constant 158 : i32
    %dma_wait3A_33 = arith.constant 0 : i32
    %dma_wait3A_34 = arith.constant 0 : i32
    %dma_wait3A_35 = arith.constant 0 : i32
    %dma_wait3A_36 = tpu.memref_slice %arg9[%dma_wait3A_33, %dma_wait3A_34, %dma_wait3A_35] : memref<2x128x128xf32, #tpu.memory_space<vmem>> -> memref<1x128x128xf32, #tpu.memory_space<vmem>>
    %dma_wait3A_37 = tpu.memref_squeeze %dma_wait3A_36 : memref<1x128x128xf32, #tpu.memory_space<vmem>> -> memref<128x128xf32, #tpu.memory_space<vmem>>
    %dma_wait3A_38 = arith.constant 0 : i32
    %dma_wait3A_39 = tpu.memref_slice %arg7[%dma_wait3A, %dma_wait3A_38] : memref<160x128xi32, #tpu.memory_space<vmem>> -> memref<1x128xi32, #tpu.memory_space<vmem>>
    %dma_wait3A_40 = tpu.memref_squeeze %dma_wait3A_39 : memref<1x128xi32, #tpu.memory_space<vmem>> -> memref<128xi32, #tpu.memory_space<vmem>>
    %dma_wait3A_41 = arith.constant 0 : i32
    %dma_wait3A_42 = arith.constant 0 : i32
    %dma_wait3A_43 = tpu.memref_slice %arg2[%dma_wait3A_41, %dma_wait3A_42] : memref<10000x128xf32, #tpu.memory_space<hbm>> -> memref<10000x128xf32, #tpu.memory_space<hbm>>
    tpu.wait_indirect_dma semaphore(%arg11 : memref<!tpu.dma_semaphore, #tpu.memory_space<semaphore_mem>>) src(%dma_wait3A_43 : memref<10000x128xf32, #tpu.memory_space<hbm>>) dst(%dma_wait3A_37 : memref<128x128xf32, #tpu.memory_space<vmem>>)
    %run_scoped3A = arith.constant 0 : i32
    %run_scoped3A_44 = arith.constant 158 : i32
    "tpu.region"() ({
      %run_scoped3A_64 = tpu.sem_alloc : memref<!tpu.dma_semaphore, #tpu.memory_space<semaphore_mem>>
      %dma_start3A_65 = arith.constant 0 : i32
      %dma_start3A_66 = arith.constant 0 : i32
      %dma_start3A_67 = tpu.memref_slice %arg9[%run_scoped3A, %dma_start3A_65, %dma_start3A_66] : memref<2x128x128xf32, #tpu.memory_space<vmem>> -> memref<1x128x128xf32, #tpu.memory_space<vmem>>
      %dma_start3A_68 = tpu.memref_squeeze %dma_start3A_67 : memref<1x128x128xf32, #tpu.memory_space<vmem>> -> memref<128x128xf32, #tpu.memory_space<vmem>>
      %dma_start3A_69 = arith.constant 0 : i32
      %dma_start3A_70 = tpu.memref_slice %arg8[%run_scoped3A_44, %dma_start3A_69] : memref<160x128xi32, #tpu.memory_space<vmem>> -> memref<1x128xi32, #tpu.memory_space<vmem>>
      %dma_start3A_71 = tpu.memref_squeeze %dma_start3A_70 : memref<1x128xi32, #tpu.memory_space<vmem>> -> memref<128xi32, #tpu.memory_space<vmem>>
      %dma_start3A_72 = arith.constant 0 : i32
      %dma_start3A_73 = arith.constant 0 : i32
      %dma_start3A_74 = tpu.memref_slice %arg10[%dma_start3A_72, %dma_start3A_73] : memref<5120x128xf32, #tpu.memory_space<vmem_shared>> -> memref<5120x128xf32, #tpu.memory_space<vmem_shared>>
      tpu.enqueue_indirect_dma source(%dma_start3A_68 : memref<128x128xf32, #tpu.memory_space<vmem>>) target(%dma_start3A_74 : memref<5120x128xf32, #tpu.memory_space<vmem_shared>>) offsets(%dma_start3A_71 : memref<128xi32, #tpu.memory_space<vmem>>) semaphore(%run_scoped3A_64 : memref<!tpu.dma_semaphore, #tpu.memory_space<semaphore_mem>>) {add = true}
      %dma_wait3A_75 = arith.constant 0 : i32
      %dma_wait3A_76 = arith.constant 0 : i32
      %dma_wait3A_77 = tpu.memref_slice %arg9[%run_scoped3A, %dma_wait3A_75, %dma_wait3A_76] : memref<2x128x128xf32, #tpu.memory_space<vmem>> -> memref<1x128x128xf32, #tpu.memory_space<vmem>>
      %dma_wait3A_78 = tpu.memref_squeeze %dma_wait3A_77 : memref<1x128x128xf32, #tpu.memory_space<vmem>> -> memref<128x128xf32, #tpu.memory_space<vmem>>
      %dma_wait3A_79 = arith.constant 0 : i32
      %dma_wait3A_80 = tpu.memref_slice %arg8[%run_scoped3A_44, %dma_wait3A_79] : memref<160x128xi32, #tpu.memory_space<vmem>> -> memref<1x128xi32, #tpu.memory_space<vmem>>
      %dma_wait3A_81 = tpu.memref_squeeze %dma_wait3A_80 : memref<1x128xi32, #tpu.memory_space<vmem>> -> memref<128xi32, #tpu.memory_space<vmem>>
      %dma_wait3A_82 = arith.constant 0 : i32
      %dma_wait3A_83 = arith.constant 0 : i32
      %dma_wait3A_84 = tpu.memref_slice %arg10[%dma_wait3A_82, %dma_wait3A_83] : memref<5120x128xf32, #tpu.memory_space<vmem_shared>> -> memref<5120x128xf32, #tpu.memory_space<vmem_shared>>
      tpu.wait_indirect_dma semaphore(%run_scoped3A_64 : memref<!tpu.dma_semaphore, #tpu.memory_space<semaphore_mem>>) src(%dma_wait3A_78 : memref<128x128xf32, #tpu.memory_space<vmem>>) dst(%dma_wait3A_84 : memref<5120x128xf32, #tpu.memory_space<vmem_shared>>)
      tpu.yield
    }) : () -> ()
    %dma_wait3A_45 = arith.constant 159 : i32
    %dma_wait3A_46 = arith.constant 1 : i32
    %dma_wait3A_47 = arith.constant 0 : i32
    %dma_wait3A_48 = arith.constant 0 : i32
    %dma_wait3A_49 = tpu.memref_slice %arg9[%dma_wait3A_46, %dma_wait3A_47, %dma_wait3A_48] : memref<2x128x128xf32, #tpu.memory_space<vmem>> -> memref<1x128x128xf32, #tpu.memory_space<vmem>>
    %dma_wait3A_50 = tpu.memref_squeeze %dma_wait3A_49 : memref<1x128x128xf32, #tpu.memory_space<vmem>> -> memref<128x128xf32, #tpu.memory_space<vmem>>
    %dma_wait3A_51 = arith.constant 0 : i32
    %dma_wait3A_52 = tpu.memref_slice %arg7[%dma_wait3A_45, %dma_wait3A_51] : memref<160x128xi32, #tpu.memory_space<vmem>> -> memref<1x128xi32, #tpu.memory_space<vmem>>
    %dma_wait3A_53 = tpu.memref_squeeze %dma_wait3A_52 : memref<1x128xi32, #tpu.memory_space<vmem>> -> memref<128xi32, #tpu.memory_space<vmem>>
    %dma_wait3A_54 = arith.constant 0 : i32
    %dma_wait3A_55 = arith.constant 0 : i32
    %dma_wait3A_56 = tpu.memref_slice %arg2[%dma_wait3A_54, %dma_wait3A_55] : memref<10000x128xf32, #tpu.memory_space<hbm>> -> memref<10000x128xf32, #tpu.memory_space<hbm>>
    tpu.wait_indirect_dma semaphore(%arg12 : memref<!tpu.dma_semaphore, #tpu.memory_space<semaphore_mem>>) src(%dma_wait3A_56 : memref<10000x128xf32, #tpu.memory_space<hbm>>) dst(%dma_wait3A_50 : memref<128x128xf32, #tpu.memory_space<vmem>>)
    %run_scoped3A_57 = arith.constant 1 : i32
    %run_scoped3A_58 = arith.constant 159 : i32
    "tpu.region"() ({
      %run_scoped3A_64 = tpu.sem_alloc : memref<!tpu.dma_semaphore, #tpu.memory_space<semaphore_mem>>
      %dma_start3A_65 = arith.constant 0 : i32
      %dma_start3A_66 = arith.constant 0 : i32
      %dma_start3A_67 = tpu.memref_slice %arg9[%run_scoped3A_57, %dma_start3A_65, %dma_start3A_66] : memref<2x128x128xf32, #tpu.memory_space<vmem>> -> memref<1x128x128xf32, #tpu.memory_space<vmem>>
      %dma_start3A_68 = tpu.memref_squeeze %dma_start3A_67 : memref<1x128x128xf32, #tpu.memory_space<vmem>> -> memref<128x128xf32, #tpu.memory_space<vmem>>
      %dma_start3A_69 = arith.constant 0 : i32
      %dma_start3A_70 = tpu.memref_slice %arg8[%run_scoped3A_58, %dma_start3A_69] : memref<160x128xi32, #tpu.memory_space<vmem>> -> memref<1x128xi32, #tpu.memory_space<vmem>>
      %dma_start3A_71 = tpu.memref_squeeze %dma_start3A_70 : memref<1x128xi32, #tpu.memory_space<vmem>> -> memref<128xi32, #tpu.memory_space<vmem>>
      %dma_start3A_72 = arith.constant 0 : i32
      %dma_start3A_73 = arith.constant 0 : i32
      %dma_start3A_74 = tpu.memref_slice %arg10[%dma_start3A_72, %dma_start3A_73] : memref<5120x128xf32, #tpu.memory_space<vmem_shared>> -> memref<5120x128xf32, #tpu.memory_space<vmem_shared>>
      tpu.enqueue_indirect_dma source(%dma_start3A_68 : memref<128x128xf32, #tpu.memory_space<vmem>>) target(%dma_start3A_74 : memref<5120x128xf32, #tpu.memory_space<vmem_shared>>) offsets(%dma_start3A_71 : memref<128xi32, #tpu.memory_space<vmem>>) semaphore(%run_scoped3A_64 : memref<!tpu.dma_semaphore, #tpu.memory_space<semaphore_mem>>) {add = true}
      %dma_wait3A_75 = arith.constant 0 : i32
      %dma_wait3A_76 = arith.constant 0 : i32
      %dma_wait3A_77 = tpu.memref_slice %arg9[%run_scoped3A_57, %dma_wait3A_75, %dma_wait3A_76] : memref<2x128x128xf32, #tpu.memory_space<vmem>> -> memref<1x128x128xf32, #tpu.memory_space<vmem>>
      %dma_wait3A_78 = tpu.memref_squeeze %dma_wait3A_77 : memref<1x128x128xf32, #tpu.memory_space<vmem>> -> memref<128x128xf32, #tpu.memory_space<vmem>>
      %dma_wait3A_79 = arith.constant 0 : i32
      %dma_wait3A_80 = tpu.memref_slice %arg8[%run_scoped3A_58, %dma_wait3A_79] : memref<160x128xi32, #tpu.memory_space<vmem>> -> memref<1x128xi32, #tpu.memory_space<vmem>>
      %dma_wait3A_81 = tpu.memref_squeeze %dma_wait3A_80 : memref<1x128xi32, #tpu.memory_space<vmem>> -> memref<128xi32, #tpu.memory_space<vmem>>
      %dma_wait3A_82 = arith.constant 0 : i32
      %dma_wait3A_83 = arith.constant 0 : i32
      %dma_wait3A_84 = tpu.memref_slice %arg10[%dma_wait3A_82, %dma_wait3A_83] : memref<5120x128xf32, #tpu.memory_space<vmem_shared>> -> memref<5120x128xf32, #tpu.memory_space<vmem_shared>>
      tpu.wait_indirect_dma semaphore(%run_scoped3A_64 : memref<!tpu.dma_semaphore, #tpu.memory_space<semaphore_mem>>) src(%dma_wait3A_78 : memref<128x128xf32, #tpu.memory_space<vmem>>) dst(%dma_wait3A_84 : memref<5120x128xf32, #tpu.memory_space<vmem_shared>>)
      tpu.yield
    }) : () -> ()
    %barrier3A_59 = arith.constant 0 : index
    tpu.barrier barrier_id(%barrier3A_59)
    %mul3A_60 = arith.constant 320 : i32
    %mul3A_61 = arith.muli %arg1, %mul3A_60 : i32
    %mul3A_62 = arith.constant 320 : i32
    %mul3A_63 = arith.muli %arg1, %mul3A_62 : i32
    "tpu.region"() ({
      %run_scoped3A_64 = tpu.sem_alloc : memref<!tpu.dma_semaphore, #tpu.memory_space<semaphore_mem>>
      %dma_start3A_65 = arith.constant 0 : i32
      %dma_start3A_66 = tpu.memref_slice %arg6[%arg0, %mul3A_63, %dma_start3A_65] : memref<2x5120x128xf32, #tpu.memory_space<hbm>> -> memref<1x320x128xf32, #tpu.memory_space<hbm>>
      %dma_start3A_67 = tpu.memref_squeeze %dma_start3A_66 : memref<1x320x128xf32, #tpu.memory_space<hbm>> -> memref<320x128xf32, #tpu.memory_space<hbm>>
      %dma_start3A_68 = arith.constant 0 : i32
      %dma_start3A_69 = tpu.memref_slice %arg10[%mul3A_61, %dma_start3A_68] : memref<5120x128xf32, #tpu.memory_space<vmem_shared>> -> memref<320x128xf32, #tpu.memory_space<vmem_shared>>
      tpu.enqueue_dma source(%dma_start3A_69 : memref<320x128xf32, #tpu.memory_space<vmem_shared>>) target(%dma_start3A_67 : memref<320x128xf32, #tpu.memory_space<hbm>>) target_semaphore(%run_scoped3A_64 : memref<!tpu.dma_semaphore, #tpu.memory_space<semaphore_mem>>)
      %dma_wait3A_70 = arith.constant 0 : i32
      %dma_wait3A_71 = tpu.memref_slice %arg6[%arg0, %mul3A_63, %dma_wait3A_70] : memref<2x5120x128xf32, #tpu.memory_space<hbm>> -> memref<1x320x128xf32, #tpu.memory_space<hbm>>
      %dma_wait3A_72 = tpu.memref_squeeze %dma_wait3A_71 : memref<1x320x128xf32, #tpu.memory_space<hbm>> -> memref<320x128xf32, #tpu.memory_space<hbm>>
      %dma_wait3A_73 = arith.constant 0 : i32
      %dma_wait3A_74 = tpu.memref_slice %arg10[%mul3A_61, %dma_wait3A_73] : memref<5120x128xf32, #tpu.memory_space<vmem_shared>> -> memref<320x128xf32, #tpu.memory_space<vmem_shared>>
      tpu.wait_dma2 semaphore(%run_scoped3A_64 : memref<!tpu.dma_semaphore, #tpu.memory_space<semaphore_mem>>) src(%dma_wait3A_74 : memref<320x128xf32, #tpu.memory_space<vmem_shared>>) dst(%dma_wait3A_72 : memref<320x128xf32, #tpu.memory_space<hbm>>)
      tpu.yield
    }) : () -> ()
    return
  }
}

module attributes {stable_mosaic.version = 14 : i64} {
  func.func @_edge_prep_body(%arg0: memref<2x320000xi32, #tpu.memory_space<vmem>>, %arg1: memref<2560x128xi32, #tpu.memory_space<vmem>>, %arg2: memref<2x2560x128xi32, #tpu.memory_space<vmem>>) attributes {dimension_semantics = [], scalar_prefetch = 0 : i64, scratch_operands = 0 : i64, tpu.core_type = #tpu.core_type<tc>} {
    %get3A = arith.constant 0 : index
    %get3A_0 = arith.constant 0 : index
    %get3A_1 = vector.load %arg0[%get3A, %get3A_0] : memref<2x320000xi32, #tpu.memory_space<vmem>>, vector<1x320000xi32>
    %get3A_2 = vector.shape_cast %get3A_1 : vector<1x320000xi32> to vector<320000xi32>
    %reshape3A = vector.shape_cast %get3A_2 : vector<320000xi32> to vector<2500x128xi32>
    %get3A_3 = arith.constant 1 : index
    %get3A_4 = arith.constant 0 : index
    %get3A_5 = vector.load %arg0[%get3A_3, %get3A_4] : memref<2x320000xi32, #tpu.memory_space<vmem>>, vector<1x320000xi32>
    %get3A_6 = vector.shape_cast %get3A_5 : vector<1x320000xi32> to vector<320000xi32>
    %reshape3A_7 = vector.shape_cast %get3A_6 : vector<320000xi32> to vector<2500x128xi32>
    %iota3A = tpu.iota {dimensions = array<i32: 0>} : vector<60x128xi32>
    %mul3A = arith.constant 128 : i32
    %mul3A_8 = vector.broadcast %mul3A : i32 to vector<60x128xi32>
    %mul3A_9 = arith.muli %iota3A, %mul3A_8 : vector<60x128xi32>
    %iota3A_10 = tpu.iota {dimensions = array<i32: 1>} : vector<60x128xi32>
    %add3A = arith.addi %mul3A_9, %iota3A_10 : vector<60x128xi32>
    %mul3A_11 = arith.constant 131 : i32
    %mul3A_12 = vector.broadcast %mul3A_11 : i32 to vector<60x128xi32>
    %mul3A_13 = arith.muli %add3A, %mul3A_12 : vector<60x128xi32>
    %jit3A = arith.constant 10000 : i32
    %eq3A = arith.constant 0 : i32
    %eq3A_14 = arith.cmpi eq, %jit3A, %eq3A : i32
    %jit3A_15 = arith.constant 1 : i32
    %select_n3A = arith.select %eq3A_14, %jit3A_15, %jit3A : i32
    %rem3A = vector.broadcast %select_n3A : i32 to vector<60x128xi32>
    %rem3A_16 = arith.remsi %mul3A_13, %rem3A : vector<60x128xi32>
    %ne3A = arith.constant 0 : i32
    %ne3A_17 = vector.broadcast %ne3A : i32 to vector<60x128xi32>
    %ne3A_18 = arith.cmpi ne, %rem3A_16, %ne3A_17 : vector<60x128xi32>
    %lt3A = arith.constant 0 : i32
    %lt3A_19 = vector.broadcast %lt3A : i32 to vector<60x128xi32>
    %lt3A_20 = arith.cmpi slt, %rem3A_16, %lt3A_19 : vector<60x128xi32>
    %lt3A_21 = arith.constant 0 : i32
    %lt3A_22 = arith.cmpi slt, %select_n3A, %lt3A_21 : i32
    %ne3A_23 = vector.broadcast %lt3A_22 : i1 to vector<60x128xi1>
    %ne3A_24 = vector.broadcast %ne3A_23 : vector<60x128xi1> to vector<60x128xi1>
    %ne3A_25 = arith.xori %lt3A_20, %ne3A_24 : vector<60x128xi1>
    %and3A = arith.andi %ne3A_25, %ne3A_18 : vector<60x128xi1>
    %add3A_26 = vector.broadcast %select_n3A : i32 to vector<60x128xi32>
    %add3A_27 = arith.addi %rem3A_16, %add3A_26 : vector<60x128xi32>
    %select_n3A_28 = arith.select %and3A, %add3A_27, %rem3A_16 : vector<60x128xi1>, vector<60x128xi32>
    %concatenate3A = tpu.concatenate %reshape3A, %select_n3A_28 in 0 : vector<2500x128xi32>, vector<60x128xi32> -> vector<2560x128xi32>
    %swap3A = arith.constant 0 : index
    %swap3A_29 = arith.constant 0 : index
    %swap3A_30 = vector.load %arg1[%swap3A, %swap3A_29] : memref<2560x128xi32, #tpu.memory_space<vmem>>, vector<2560x128xi32>
    tpu.vector_store %arg1[%swap3A, %swap3A_29], %concatenate3A {strides = array<i32>} : memref<2560x128xi32, #tpu.memory_space<vmem>>, vector<2560x128xi32>,
    %iota3A_31 = tpu.iota {dimensions = array<i32: 0>} : vector<2500x128xi32>
    %mul3A_32 = arith.constant 128 : i32
    %mul3A_33 = vector.broadcast %mul3A_32 : i32 to vector<2500x128xi32>
    %mul3A_34 = arith.muli %iota3A_31, %mul3A_33 : vector<2500x128xi32>
    %iota3A_35 = tpu.iota {dimensions = array<i32: 1>} : vector<2500x128xi32>
    %add3A_36 = arith.addi %mul3A_34, %iota3A_35 : vector<2500x128xi32>
    %jit3A_37 = arith.constant 120 : i32
    %eq3A_38 = arith.constant 0 : i32
    %eq3A_39 = arith.cmpi eq, %jit3A_37, %eq3A_38 : i32
    %jit3A_40 = arith.constant 1 : i32
    %select_n3A_41 = arith.select %eq3A_39, %jit3A_40, %jit3A_37 : i32
    %rem3A_42 = vector.broadcast %select_n3A_41 : i32 to vector<2500x128xi32>
    %rem3A_43 = arith.remsi %add3A_36, %rem3A_42 : vector<2500x128xi32>
    %ne3A_44 = arith.constant 0 : i32
    %ne3A_45 = vector.broadcast %ne3A_44 : i32 to vector<2500x128xi32>
    %ne3A_46 = arith.cmpi ne, %rem3A_43, %ne3A_45 : vector<2500x128xi32>
    %lt3A_47 = arith.constant 0 : i32
    %lt3A_48 = vector.broadcast %lt3A_47 : i32 to vector<2500x128xi32>
    %lt3A_49 = arith.cmpi slt, %rem3A_43, %lt3A_48 : vector<2500x128xi32>
    %lt3A_50 = arith.constant 0 : i32
    %lt3A_51 = arith.cmpi slt, %select_n3A_41, %lt3A_50 : i32
    %ne3A_52 = vector.broadcast %lt3A_51 : i1 to vector<2500x128xi1>
    %ne3A_53 = vector.broadcast %ne3A_52 : vector<2500x128xi1> to vector<2500x128xi1>
    %ne3A_54 = arith.xori %lt3A_49, %ne3A_53 : vector<2500x128xi1>
    %and3A_55 = arith.andi %ne3A_54, %ne3A_46 : vector<2500x128xi1>
    %add3A_56 = vector.broadcast %select_n3A_41 : i32 to vector<2500x128xi32>
    %add3A_57 = arith.addi %rem3A_43, %add3A_56 : vector<2500x128xi32>
    %select_n3A_58 = arith.select %and3A_55, %add3A_57, %rem3A_43 : vector<2500x128xi1>, vector<2500x128xi32>
    %add3A_59 = arith.constant 5000 : i32
    %add3A_60 = vector.broadcast %add3A_59 : i32 to vector<2500x128xi32>
    %add3A_61 = arith.addi %add3A_60, %select_n3A_58 : vector<2500x128xi32>
    %add3A_62 = arith.constant 320000 : i32
    %add3A_63 = vector.broadcast %add3A_62 : i32 to vector<60x128xi32>
    %add3A_64 = arith.addi %add3A_63, %add3A : vector<60x128xi32>
    %jit3A_65 = arith.constant 120 : i32
    %eq3A_66 = arith.constant 0 : i32
    %eq3A_67 = arith.cmpi eq, %jit3A_65, %eq3A_66 : i32
    %jit3A_68 = arith.constant 1 : i32
    %select_n3A_69 = arith.select %eq3A_67, %jit3A_68, %jit3A_65 : i32
    %rem3A_70 = vector.broadcast %select_n3A_69 : i32 to vector<60x128xi32>
    %rem3A_71 = arith.remsi %add3A_64, %rem3A_70 : vector<60x128xi32>
    %ne3A_72 = arith.constant 0 : i32
    %ne3A_73 = vector.broadcast %ne3A_72 : i32 to vector<60x128xi32>
    %ne3A_74 = arith.cmpi ne, %rem3A_71, %ne3A_73 : vector<60x128xi32>
    %lt3A_75 = arith.constant 0 : i32
    %lt3A_76 = vector.broadcast %lt3A_75 : i32 to vector<60x128xi32>
    %lt3A_77 = arith.cmpi slt, %rem3A_71, %lt3A_76 : vector<60x128xi32>
    %lt3A_78 = arith.constant 0 : i32
    %lt3A_79 = arith.cmpi slt, %select_n3A_69, %lt3A_78 : i32
    %ne3A_80 = vector.broadcast %lt3A_79 : i1 to vector<60x128xi1>
    %ne3A_81 = vector.broadcast %ne3A_80 : vector<60x128xi1> to vector<60x128xi1>
    %ne3A_82 = arith.xori %lt3A_77, %ne3A_81 : vector<60x128xi1>
    %and3A_83 = arith.andi %ne3A_82, %ne3A_74 : vector<60x128xi1>
    %add3A_84 = vector.broadcast %select_n3A_69 : i32 to vector<60x128xi32>
    %add3A_85 = arith.addi %rem3A_71, %add3A_84 : vector<60x128xi32>
    %select_n3A_86 = arith.select %and3A_83, %add3A_85, %rem3A_71 : vector<60x128xi1>, vector<60x128xi32>
    %add3A_87 = arith.constant 5000 : i32
    %add3A_88 = vector.broadcast %add3A_87 : i32 to vector<60x128xi32>
    %add3A_89 = arith.addi %add3A_88, %select_n3A_86 : vector<60x128xi32>
    %sub3A = arith.constant 0 : i32
    %sub3A_90 = vector.broadcast %sub3A : i32 to vector<2500x128xi32>
    %sub3A_91 = arith.subi %reshape3A_7, %sub3A_90 : vector<2500x128xi32>
    %ge3A = arith.constant 0 : i32
    %ge3A_92 = vector.broadcast %ge3A : i32 to vector<2500x128xi32>
    %ge3A_93 = arith.cmpi sge, %sub3A_91, %ge3A_92 : vector<2500x128xi32>
    %lt3A_94 = arith.constant 5000 : i32
    %lt3A_95 = vector.broadcast %lt3A_94 : i32 to vector<2500x128xi32>
    %lt3A_96 = arith.cmpi slt, %sub3A_91, %lt3A_95 : vector<2500x128xi32>
    %and3A_97 = arith.andi %ge3A_93, %lt3A_96 : vector<2500x128xi1>
    %select_n3A_98 = arith.select %and3A_97, %sub3A_91, %add3A_61 : vector<2500x128xi1>, vector<2500x128xi32>
    %concatenate3A_99 = tpu.concatenate %select_n3A_98, %add3A_89 in 0 : vector<2500x128xi32>, vector<60x128xi32> -> vector<2560x128xi32>
    %sub3A_100 = arith.constant 5000 : i32
    %sub3A_101 = vector.broadcast %sub3A_100 : i32 to vector<2500x128xi32>
    %sub3A_102 = arith.subi %reshape3A_7, %sub3A_101 : vector<2500x128xi32>
    %ge3A_103 = arith.constant 0 : i32
    %ge3A_104 = vector.broadcast %ge3A_103 : i32 to vector<2500x128xi32>
    %ge3A_105 = arith.cmpi sge, %sub3A_102, %ge3A_104 : vector<2500x128xi32>
    %lt3A_106 = arith.constant 5000 : i32
    %lt3A_107 = vector.broadcast %lt3A_106 : i32 to vector<2500x128xi32>
    %lt3A_108 = arith.cmpi slt, %sub3A_102, %lt3A_107 : vector<2500x128xi32>
    %and3A_109 = arith.andi %ge3A_105, %lt3A_108 : vector<2500x128xi1>
    %select_n3A_110 = arith.select %and3A_109, %sub3A_102, %add3A_61 : vector<2500x128xi1>, vector<2500x128xi32>
    %concatenate3A_111 = tpu.concatenate %select_n3A_110, %add3A_89 in 0 : vector<2500x128xi32>, vector<60x128xi32> -> vector<2560x128xi32>
    %stack3A = vector.shape_cast %concatenate3A_99 : vector<2560x128xi32> to vector<1x2560x128xi32>
    %stack3A_112 = vector.shape_cast %concatenate3A_111 : vector<2560x128xi32> to vector<1x2560x128xi32>
    %stack3A_113 = tpu.concatenate %stack3A, %stack3A_112 in 0 : vector<1x2560x128xi32>, vector<1x2560x128xi32> -> vector<2x2560x128xi32>
    %swap3A_114 = arith.constant 0 : index
    %swap3A_115 = arith.constant 0 : index
    %swap3A_116 = arith.constant 0 : index
    %swap3A_117 = vector.load %arg2[%swap3A_114, %swap3A_115, %swap3A_116] : memref<2x2560x128xi32, #tpu.memory_space<vmem>>, vector<2x2560x128xi32>
    tpu.vector_store %arg2[%swap3A_114, %swap3A_115, %swap3A_116], %stack3A_113 {strides = array<i32>} : memref<2x2560x128xi32, #tpu.memory_space<vmem>>, vector<2x2560x128xi32>,
    return
  }
}

module attributes {stable_mosaic.version = 14 : i64} {
  func.func @_mlp1_body(%arg0: i32, %arg1: memref<1000x128xf32, #tpu.memory_space<vmem>>, %arg2: memref<1x1000x128xf32, #tpu.memory_space<vmem>>, %arg3: memref<128x128xf32, #tpu.memory_space<vmem>>, %arg4: memref<1x128xf32, #tpu.memory_space<vmem>>, %arg5: memref<128x128xf32, #tpu.memory_space<vmem>>, %arg6: memref<1x128xf32, #tpu.memory_space<vmem>>, %arg7: memref<1000x128xf32, #tpu.memory_space<vmem>>) attributes {dimension_semantics = [#tpu.dimension_semantics<arbitrary>], iteration_bounds = array<i64: 10>, scalar_prefetch = 0 : i64, scratch_operands = 0 : i64, tpu.core_type = #tpu.core_type<tc>, window_params = [{transform_indices = @transform_0, window_bounds = array<i64: 1000, 128>}, {transform_indices = @transform_1, window_bounds = array<i64: 1, 1000, 128>}, {pipeline_mode = #tpu.pipeline_mode<synchronous>, transform_indices = @transform_2, window_bounds = array<i64: 128, 128>}, {pipeline_mode = #tpu.pipeline_mode<synchronous>, transform_indices = @transform_3, window_bounds = array<i64: 1, 128>}, {pipeline_mode = #tpu.pipeline_mode<synchronous>, transform_indices = @transform_4, window_bounds = array<i64: 128, 128>}, {pipeline_mode = #tpu.pipeline_mode<synchronous>, transform_indices = @transform_5, window_bounds = array<i64: 1, 128>}, {transform_indices = @transform_6, window_bounds = array<i64: 1000, 128>}]} {
    %get3A = arith.constant 0 : index
    %get3A_0 = arith.constant 0 : index
    %get3A_1 = vector.load %arg1[%get3A, %get3A_0] : memref<1000x128xf32, #tpu.memory_space<vmem>>, vector<1000x128xf32>
    %get3A_2 = arith.constant 0 : index
    %get3A_3 = arith.constant 0 : index
    %get3A_4 = arith.constant 0 : index
    %get3A_5 = vector.load %arg2[%get3A_2, %get3A_3, %get3A_4] : memref<1x1000x128xf32, #tpu.memory_space<vmem>>, vector<1x1000x128xf32>
    %get3A_6 = vector.shape_cast %get3A_5 : vector<1x1000x128xf32> to vector<1000x128xf32>
    %add3A = arith.addf %get3A_1, %get3A_6 : vector<1000x128xf32>
    %get3A_7 = arith.constant 0 : index
    %get3A_8 = arith.constant 0 : index
    %get3A_9 = vector.load %arg3[%get3A_7, %get3A_8] : memref<128x128xf32, #tpu.memory_space<vmem>>, vector<128x128xf32>
    %dot_general3A = arith.constant dense<0.000000e+00> : vector<1000x128xf32>
    %dot_general3A_10 = tpu.matmul %add3A, %get3A_9, %dot_general3A {dimension_numbers = #tpu.dot_dimension_numbers<[1], [0], [0], [1], [0, 0, 1, 1], [], []>, transpose_lhs_hint = false} : vector<1000x128xf32>, vector<128x128xf32>, vector<1000x128xf32> -> vector<1000x128xf32>
    %get3A_11 = arith.constant 0 : index
    %get3A_12 = arith.constant 0 : index
    %get3A_13 = vector.load %arg4[%get3A_11, %get3A_12] : memref<1x128xf32, #tpu.memory_space<vmem>>, vector<1x128xf32>
    %add3A_14 = vector.broadcast %get3A_13 : vector<1x128xf32> to vector<1000x128xf32>
    %add3A_15 = arith.addf %dot_general3A_10, %add3A_14 : vector<1000x128xf32>
    %max3A = arith.constant 0.000000e+00 : f32
    %max3A_16 = vector.broadcast %max3A : f32 to vector<1000x128xf32>
    %max3A_17 = arith.maximumf %add3A_15, %max3A_16 : vector<1000x128xf32>
    %get3A_18 = arith.constant 0 : index
    %get3A_19 = arith.constant 0 : index
    %get3A_20 = vector.load %arg5[%get3A_18, %get3A_19] : memref<128x128xf32, #tpu.memory_space<vmem>>, vector<128x128xf32>
    %dot_general3A_21 = arith.constant dense<0.000000e+00> : vector<1000x128xf32>
    %dot_general3A_22 = tpu.matmul %max3A_17, %get3A_20, %dot_general3A_21 {dimension_numbers = #tpu.dot_dimension_numbers<[1], [0], [0], [1], [0, 0, 1, 1], [], []>, transpose_lhs_hint = false} : vector<1000x128xf32>, vector<128x128xf32>, vector<1000x128xf32> -> vector<1000x128xf32>
    %get3A_23 = arith.constant 0 : index
    %get3A_24 = arith.constant 0 : index
    %get3A_25 = vector.load %arg6[%get3A_23, %get3A_24] : memref<1x128xf32, #tpu.memory_space<vmem>>, vector<1x128xf32>
    %add3A_26 = vector.broadcast %get3A_25 : vector<1x128xf32> to vector<1000x128xf32>
    %add3A_27 = arith.addf %dot_general3A_22, %add3A_26 : vector<1000x128xf32>
    %max3A_28 = arith.constant 0.000000e+00 : f32
    %max3A_29 = vector.broadcast %max3A_28 : f32 to vector<1000x128xf32>
    %max3A_30 = arith.maximumf %add3A_27, %max3A_29 : vector<1000x128xf32>
    %swap3A = arith.constant 0 : index
    %swap3A_31 = arith.constant 0 : index
    %swap3A_32 = vector.load %arg7[%swap3A, %swap3A_31] : memref<1000x128xf32, #tpu.memory_space<vmem>>, vector<1000x128xf32>
    tpu.vector_store %arg7[%swap3A, %swap3A_31], %max3A_30 {strides = array<i32>} : memref<1000x128xf32, #tpu.memory_space<vmem>>, vector<1000x128xf32>,
    return
  }
  func.func @transform_0(%arg0: i32) -> (i32, i32) {
    %c0_i32 = arith.constant 0 : i32
    %c0_i32_0 = arith.constant 0 : i32
    return %arg0, %c0_i32 : i32, i32
  }
  func.func @transform_1(%arg0: i32) -> (i32, i32, i32) {
    %jit3A = arith.constant 5 : i32
    %div3A = arith.divsi %arg0, %jit3A : i32
    %sign3A = arith.constant 0 : i32
    %sign3A_0 = arith.cmpi sgt, %arg0, %sign3A : i32
    %sign3A_1 = arith.extui %sign3A_0 : i1 to i32
    %sign3A_2 = arith.constant 0 : i32
    %sign3A_3 = arith.cmpi slt, %arg0, %sign3A_2 : i32
    %sign3A_4 = arith.extui %sign3A_3 : i1 to i32
    %sign3A_5 = arith.subi %sign3A_1, %sign3A_4 : i32
    %sign3A_6 = arith.constant 0 : i32
    %sign3A_7 = arith.cmpi sgt, %jit3A, %sign3A_6 : i32
    %sign3A_8 = arith.extui %sign3A_7 : i1 to i32
    %sign3A_9 = arith.constant 0 : i32
    %sign3A_10 = arith.cmpi slt, %jit3A, %sign3A_9 : i32
    %sign3A_11 = arith.extui %sign3A_10 : i1 to i32
    %sign3A_12 = arith.subi %sign3A_8, %sign3A_11 : i32
    %ne3A = arith.cmpi ne, %sign3A_5, %sign3A_12 : i32
    %rem3A = arith.remsi %arg0, %jit3A : i32
    %ne3A_13 = arith.constant 0 : i32
    %ne3A_14 = arith.cmpi ne, %rem3A, %ne3A_13 : i32
    %and3A = arith.andi %ne3A, %ne3A_14 : i1
    %sub3A = arith.constant 1 : i32
    %sub3A_15 = arith.subi %div3A, %sub3A : i32
    %select_n3A = arith.select %and3A, %sub3A_15, %div3A : i32
    %jit3A_16 = arith.constant 5 : i32
    %eq3A = arith.constant 0 : i32
    %eq3A_17 = arith.cmpi eq, %jit3A_16, %eq3A : i32
    %jit3A_18 = arith.constant 1 : i32
    %select_n3A_19 = arith.select %eq3A_17, %jit3A_18, %jit3A_16 : i32
    %rem3A_20 = arith.remsi %arg0, %select_n3A_19 : i32
    %ne3A_21 = arith.constant 0 : i32
    %ne3A_22 = arith.cmpi ne, %rem3A_20, %ne3A_21 : i32
    %lt3A = arith.constant 0 : i32
    %lt3A_23 = arith.cmpi slt, %rem3A_20, %lt3A : i32
    %lt3A_24 = arith.constant 0 : i32
    %lt3A_25 = arith.cmpi slt, %select_n3A_19, %lt3A_24 : i32
    %ne3A_26 = arith.xori %lt3A_23, %lt3A_25 : i1
    %and3A_27 = arith.andi %ne3A_26, %ne3A_22 : i1
    %add3A = arith.addi %rem3A_20, %select_n3A_19 : i32
    %select_n3A_28 = arith.select %and3A_27, %add3A, %rem3A_20 : i32
    %c0_i32 = arith.constant 0 : i32
    %c0_i32_29 = arith.constant 0 : i32
    return %select_n3A, %select_n3A_28, %c0_i32 : i32, i32, i32
  }
  func.func @transform_2(%arg0: i32) -> (i32, i32) {
    %c0_i32 = arith.constant 0 : i32
    %c0_i32_0 = arith.constant 0 : i32
    %c0_i32_1 = arith.constant 0 : i32
    return %c0_i32, %c0_i32_0 : i32, i32
  }
  func.func @transform_3(%arg0: i32) -> (i32, i32) {
    %c0_i32 = arith.constant 0 : i32
    %c0_i32_0 = arith.constant 0 : i32
    %c0_i32_1 = arith.constant 0 : i32
    return %c0_i32, %c0_i32_0 : i32, i32
  }
  func.func @transform_4(%arg0: i32) -> (i32, i32) {
    %c0_i32 = arith.constant 0 : i32
    %c0_i32_0 = arith.constant 0 : i32
    %c0_i32_1 = arith.constant 0 : i32
    return %c0_i32, %c0_i32_0 : i32, i32
  }
  func.func @transform_5(%arg0: i32) -> (i32, i32) {
    %c0_i32 = arith.constant 0 : i32
    %c0_i32_0 = arith.constant 0 : i32
    %c0_i32_1 = arith.constant 0 : i32
    return %c0_i32, %c0_i32_0 : i32, i32
  }
  func.func @transform_6(%arg0: i32) -> (i32, i32) {
    %c0_i32 = arith.constant 0 : i32
    %c0_i32_0 = arith.constant 0 : i32
    return %arg0, %c0_i32 : i32, i32
  }
}

module attributes {stable_mosaic.version = 14 : i64} {
  func.func @_mlp2_body(%arg0: i32, %arg1: memref<1000x128xf32, #tpu.memory_space<vmem>>, %arg2: memref<1x1000x128xf32, #tpu.memory_space<vmem>>, %arg3: memref<128x128xf32, #tpu.memory_space<vmem>>, %arg4: memref<1x128xf32, #tpu.memory_space<vmem>>, %arg5: memref<128x128xf32, #tpu.memory_space<vmem>>, %arg6: memref<1x128xf32, #tpu.memory_space<vmem>>, %arg7: memref<1000x128xf32, #tpu.memory_space<vmem>>) attributes {dimension_semantics = [#tpu.dimension_semantics<arbitrary>], iteration_bounds = array<i64: 10>, scalar_prefetch = 0 : i64, scratch_operands = 0 : i64, tpu.core_type = #tpu.core_type<tc>, window_params = [{transform_indices = @transform_0, window_bounds = array<i64: 1000, 128>}, {transform_indices = @transform_1, window_bounds = array<i64: 1, 1000, 128>}, {pipeline_mode = #tpu.pipeline_mode<synchronous>, transform_indices = @transform_2, window_bounds = array<i64: 128, 128>}, {pipeline_mode = #tpu.pipeline_mode<synchronous>, transform_indices = @transform_3, window_bounds = array<i64: 1, 128>}, {pipeline_mode = #tpu.pipeline_mode<synchronous>, transform_indices = @transform_4, window_bounds = array<i64: 128, 128>}, {pipeline_mode = #tpu.pipeline_mode<synchronous>, transform_indices = @transform_5, window_bounds = array<i64: 1, 128>}, {transform_indices = @transform_6, window_bounds = array<i64: 1000, 128>}]} {
    %get3A = arith.constant 0 : index
    %get3A_0 = arith.constant 0 : index
    %get3A_1 = vector.load %arg1[%get3A, %get3A_0] : memref<1000x128xf32, #tpu.memory_space<vmem>>, vector<1000x128xf32>
    %get3A_2 = arith.constant 0 : index
    %get3A_3 = arith.constant 0 : index
    %get3A_4 = arith.constant 0 : index
    %get3A_5 = vector.load %arg2[%get3A_2, %get3A_3, %get3A_4] : memref<1x1000x128xf32, #tpu.memory_space<vmem>>, vector<1x1000x128xf32>
    %get3A_6 = vector.shape_cast %get3A_5 : vector<1x1000x128xf32> to vector<1000x128xf32>
    %add3A = arith.addf %get3A_1, %get3A_6 : vector<1000x128xf32>
    %get3A_7 = arith.constant 0 : index
    %get3A_8 = arith.constant 0 : index
    %get3A_9 = vector.load %arg3[%get3A_7, %get3A_8] : memref<128x128xf32, #tpu.memory_space<vmem>>, vector<128x128xf32>
    %dot_general3A = arith.constant dense<0.000000e+00> : vector<1000x128xf32>
    %dot_general3A_10 = tpu.matmul %add3A, %get3A_9, %dot_general3A {dimension_numbers = #tpu.dot_dimension_numbers<[1], [0], [0], [1], [0, 0, 1, 1], [], []>, transpose_lhs_hint = false} : vector<1000x128xf32>, vector<128x128xf32>, vector<1000x128xf32> -> vector<1000x128xf32>
    %get3A_11 = arith.constant 0 : index
    %get3A_12 = arith.constant 0 : index
    %get3A_13 = vector.load %arg4[%get3A_11, %get3A_12] : memref<1x128xf32, #tpu.memory_space<vmem>>, vector<1x128xf32>
    %add3A_14 = vector.broadcast %get3A_13 : vector<1x128xf32> to vector<1000x128xf32>
    %add3A_15 = arith.addf %dot_general3A_10, %add3A_14 : vector<1000x128xf32>
    %max3A = arith.constant 0.000000e+00 : f32
    %max3A_16 = vector.broadcast %max3A : f32 to vector<1000x128xf32>
    %max3A_17 = arith.maximumf %add3A_15, %max3A_16 : vector<1000x128xf32>
    %get3A_18 = arith.constant 0 : index
    %get3A_19 = arith.constant 0 : index
    %get3A_20 = vector.load %arg5[%get3A_18, %get3A_19] : memref<128x128xf32, #tpu.memory_space<vmem>>, vector<128x128xf32>
    %dot_general3A_21 = arith.constant dense<0.000000e+00> : vector<1000x128xf32>
    %dot_general3A_22 = tpu.matmul %max3A_17, %get3A_20, %dot_general3A_21 {dimension_numbers = #tpu.dot_dimension_numbers<[1], [0], [0], [1], [0, 0, 1, 1], [], []>, transpose_lhs_hint = false} : vector<1000x128xf32>, vector<128x128xf32>, vector<1000x128xf32> -> vector<1000x128xf32>
    %get3A_23 = arith.constant 0 : index
    %get3A_24 = arith.constant 0 : index
    %get3A_25 = vector.load %arg6[%get3A_23, %get3A_24] : memref<1x128xf32, #tpu.memory_space<vmem>>, vector<1x128xf32>
    %add3A_26 = vector.broadcast %get3A_25 : vector<1x128xf32> to vector<1000x128xf32>
    %add3A_27 = arith.addf %dot_general3A_22, %add3A_26 : vector<1000x128xf32>
    %reduce_max3A = arith.constant dense<0xFF800000> : vector<1000xf32>
    %reduce_max3A_28 = vector.multi_reduction <maximumf>, %add3A_27, %reduce_max3A [1] : vector<1000x128xf32> to vector<1000xf32>
    %broadcast_in_dim3A = vector.shape_cast %reduce_max3A_28 : vector<1000xf32> to vector<1000x1xf32>
    %sub3A = vector.broadcast %broadcast_in_dim3A : vector<1000x1xf32> to vector<1000x128xf32>
    %sub3A_29 = arith.subf %add3A_27, %sub3A : vector<1000x128xf32>
    %exp3A = math.exp %sub3A_29 : vector<1000x128xf32>
    %reduce_sum3A = arith.constant dense<0.000000e+00> : vector<1000xf32>
    %reduce_sum3A_30 = vector.multi_reduction <add>, %exp3A, %reduce_sum3A [1] : vector<1000x128xf32> to vector<1000xf32>
    %broadcast_in_dim3A_31 = vector.shape_cast %reduce_sum3A_30 : vector<1000xf32> to vector<1000x1xf32>
    %log3A = math.log %broadcast_in_dim3A_31 : vector<1000x1xf32>
    %sub3A_32 = vector.broadcast %log3A : vector<1000x1xf32> to vector<1000x128xf32>
    %sub3A_33 = arith.subf %sub3A_29, %sub3A_32 : vector<1000x128xf32>
    %swap3A = arith.constant 0 : index
    %swap3A_34 = arith.constant 0 : index
    %swap3A_35 = vector.load %arg7[%swap3A, %swap3A_34] : memref<1000x128xf32, #tpu.memory_space<vmem>>, vector<1000x128xf32>
    tpu.vector_store %arg7[%swap3A, %swap3A_34], %sub3A_33 {strides = array<i32>} : memref<1000x128xf32, #tpu.memory_space<vmem>>, vector<1000x128xf32>,
    return
  }
  func.func @transform_0(%arg0: i32) -> (i32, i32) {
    %c0_i32 = arith.constant 0 : i32
    %c0_i32_0 = arith.constant 0 : i32
    return %arg0, %c0_i32 : i32, i32
  }
  func.func @transform_1(%arg0: i32) -> (i32, i32, i32) {
    %jit3A = arith.constant 5 : i32
    %div3A = arith.divsi %arg0, %jit3A : i32
    %sign3A = arith.constant 0 : i32
    %sign3A_0 = arith.cmpi sgt, %arg0, %sign3A : i32
    %sign3A_1 = arith.extui %sign3A_0 : i1 to i32
    %sign3A_2 = arith.constant 0 : i32
    %sign3A_3 = arith.cmpi slt, %arg0, %sign3A_2 : i32
    %sign3A_4 = arith.extui %sign3A_3 : i1 to i32
    %sign3A_5 = arith.subi %sign3A_1, %sign3A_4 : i32
    %sign3A_6 = arith.constant 0 : i32
    %sign3A_7 = arith.cmpi sgt, %jit3A, %sign3A_6 : i32
    %sign3A_8 = arith.extui %sign3A_7 : i1 to i32
    %sign3A_9 = arith.constant 0 : i32
    %sign3A_10 = arith.cmpi slt, %jit3A, %sign3A_9 : i32
    %sign3A_11 = arith.extui %sign3A_10 : i1 to i32
    %sign3A_12 = arith.subi %sign3A_8, %sign3A_11 : i32
    %ne3A = arith.cmpi ne, %sign3A_5, %sign3A_12 : i32
    %rem3A = arith.remsi %arg0, %jit3A : i32
    %ne3A_13 = arith.constant 0 : i32
    %ne3A_14 = arith.cmpi ne, %rem3A, %ne3A_13 : i32
    %and3A = arith.andi %ne3A, %ne3A_14 : i1
    %sub3A = arith.constant 1 : i32
    %sub3A_15 = arith.subi %div3A, %sub3A : i32
    %select_n3A = arith.select %and3A, %sub3A_15, %div3A : i32
    %jit3A_16 = arith.constant 5 : i32
    %eq3A = arith.constant 0 : i32
    %eq3A_17 = arith.cmpi eq, %jit3A_16, %eq3A : i32
    %jit3A_18 = arith.constant 1 : i32
    %select_n3A_19 = arith.select %eq3A_17, %jit3A_18, %jit3A_16 : i32
    %rem3A_20 = arith.remsi %arg0, %select_n3A_19 : i32
    %ne3A_21 = arith.constant 0 : i32
    %ne3A_22 = arith.cmpi ne, %rem3A_20, %ne3A_21 : i32
    %lt3A = arith.constant 0 : i32
    %lt3A_23 = arith.cmpi slt, %rem3A_20, %lt3A : i32
    %lt3A_24 = arith.constant 0 : i32
    %lt3A_25 = arith.cmpi slt, %select_n3A_19, %lt3A_24 : i32
    %ne3A_26 = arith.xori %lt3A_23, %lt3A_25 : i1
    %and3A_27 = arith.andi %ne3A_26, %ne3A_22 : i1
    %add3A = arith.addi %rem3A_20, %select_n3A_19 : i32
    %select_n3A_28 = arith.select %and3A_27, %add3A, %rem3A_20 : i32
    %c0_i32 = arith.constant 0 : i32
    %c0_i32_29 = arith.constant 0 : i32
    return %select_n3A, %select_n3A_28, %c0_i32 : i32, i32, i32
  }
  func.func @transform_2(%arg0: i32) -> (i32, i32) {
    %c0_i32 = arith.constant 0 : i32
    %c0_i32_0 = arith.constant 0 : i32
    %c0_i32_1 = arith.constant 0 : i32
    return %c0_i32, %c0_i32_0 : i32, i32
  }
  func.func @transform_3(%arg0: i32) -> (i32, i32) {
    %c0_i32 = arith.constant 0 : i32
    %c0_i32_0 = arith.constant 0 : i32
    %c0_i32_1 = arith.constant 0 : i32
    return %c0_i32, %c0_i32_0 : i32, i32
  }
  func.func @transform_4(%arg0: i32) -> (i32, i32) {
    %c0_i32 = arith.constant 0 : i32
    %c0_i32_0 = arith.constant 0 : i32
    %c0_i32_1 = arith.constant 0 : i32
    return %c0_i32, %c0_i32_0 : i32, i32
  }
  func.func @transform_5(%arg0: i32) -> (i32, i32) {
    %c0_i32 = arith.constant 0 : i32
    %c0_i32_0 = arith.constant 0 : i32
    %c0_i32_1 = arith.constant 0 : i32
    return %c0_i32, %c0_i32_0 : i32, i32
  }
  func.func @transform_6(%arg0: i32) -> (i32, i32) {
    %c0_i32 = arith.constant 0 : i32
    %c0_i32_0 = arith.constant 0 : i32
    return %arg0, %c0_i32 : i32, i32
  }
}

</mosaic_0001>

<sc_bundles>
// kernel: kernel.10.cloned.1.call-start
scs
__scs_entry_jumppad:
0x0: {  	(pc) =	sbr.rel $0x88, $3  }
0x1: {  	(tag) =	ssettag $0x0;
	lr =	simm.s32 $0x1  }
0x2: {  	[smem:$0x3F97] =	sst lr;
	_ =	strace $0xD0000000  }
0x3: {  	_ = 	snop  }
0x4: {  	_ = 	snop  }
0x5: {  	_ = 	snop  }
0x6: {  	_ = 	snop  }
0x7: {  	_ = 	snop  }
__scs_overlays_trampoline_lowered:
0x8: {  	[smem:$0x3FA6] =	sst s0  }
0x9: {  	[smem:$0x3FA7] =	sst s1  }
0xa: {  	[smem:$0x3FA8] =	sst s2  }
0xb: {  	[smem:$0x3FA9] =	sst s3  }
0xc: {  	[smem:$0x3FAA] =	sst s4  }
0xd: {  	[smem:$0x3FAB] =	sst s5  }
0xe: {  	[smem:$0x3FAC] =	sst s6  }
0xf: {  	[smem:$0x3FAD] =	sst s7  }
0x10: {  	[smem:$0x3FAE] =	sst s8  }
0x11: {  	[smem:$0x3FAF] =	sst s9;
	s0 =	simm.s32 @!p0 $0x0  }
0x12: {  	s1 =	sld [smem:$0x3F95];
	s0 =	simm.s32 @p0 $0x1  }
0x13: {  	[smem:$0x3FB0] =	sst s0;
	s0 =	simm.s32 @!p1 $0x0  }
0x14: {  	s2 =	sld [smem:$0x3F94];
	s0 =	simm.s32 @p1 $0x1  }
0x15: {  	[smem:$0x3FB1] =	sst s0;
	s0 =	simm.s32 @!p2 $0x0  }
0x16: {  	s3 =	sld [smem:$0x3FDB];
	s0 =	simm.s32 @p2 $0x1  }
0x17: {  	s4 =	simm.s32 $0x1BF5;
	[smem:$0x3FB3] =	sst s0  }
0x18: {  	s0 =	sld [smem:$0x3F96];
	_ =	swait.ge [sflag:s4], $0x0  }
0x19: {  	s7 =	sld [smem:$0x3F97]  }
0x1a: {  	s8 =	sadd.s32 $0xFFFFE003, lr  }
0x1b: {  	s9 =	sadd.s32 $0xFFFFFEF7, lr;
	s5 =	simm.s32 $0xFFFFFFFF;
	p2 =	slt.u32 s8, $0xFFFFF086  }
0x1c: {  	p1 =	slt.u32 s9, $0xF7A;
	s5 =	simm.s32 @!p2 $0x0  }
0x1d: {  	s5 =	simm.s32 @p1 $0x1;
	p0 =	seq.s32 s7, s2  }
0x1e: {  	s7 =	smul.u32 @!p0 $0xF7A, s2;
	p2 =	seq.s32 @!p0 s5, $0x0  }
0x1f: {  	s9 =	smul.u32 $0xF7A, s1;
	s8 =	simm.s32 @!p0 $0x1BF5;
	p2 =	por !p2, p0  }
0x20: {  	[sflag:s8] =	ssyncset.s32 @!p0 $0xFFFFF086;
	s6 =	sadd.s32 @!p0 s3, s7;
	s7 =	simm.s32 @!p0 $0x108  }
0x21: {  	s3 =	sadd.s32 s3, s9;
	s6 =	sadd.s32 @!p0 $0x88, s6;
	s7 =	simm.s32 @p2 $0x1082  }
0x22: {  	[simem:s7], [sflag:s8] =	dma.local @!p0 [hbm:s6], $0xF7A  }
0x23: {  	s9 =	sor.u32 $0xD0000000, s2;
	s6 =	simm.s32 $0x108;
	_ =	swait.ge @!p0 [sflag:s8], $0x0  }
0x24: {  	s3 =	sadd.s32 $0x88, s3;
	s6 =	simm.s32 @!p1 $0x1082;
	[sflag:s4] =	ssyncset.s32 $0xFFFFF086  }
0x25: {  	[simem:s6], [sflag:s4] =	dma.local [hbm:s3], $0xF7A  }
0x26: {  	[smem:$0x3F97] =	sst s1;
	(tag) =	ssettag s2;
	_ =	strace s9  }
0x27: {  	s1 =	sld [smem:$0x3FA7]  }
0x28: {  	s2 =	sld [smem:$0x3FA8]  }
0x29: {  	s4 =	sld [smem:$0x3FAA]  }
0x2a: {  	p0 =	seq.s32 s5, $0x0;
	s5 =	sld [smem:$0x3FAB]  }
0x2b: {  	s6 =	sld [smem:$0x3FAC]  }
0x2c: {  	s7 =	sld [smem:$0x3FAD]  }
0x2d: {  	s3 =	simm.s32 $0x108;
	s8 =	sld [smem:$0x3FAE]  }
0x2e: {  	s3 =	simm.s32 @!p0 $0x1082;
	s9 =	sld [smem:$0x3FAF]  }
0x2f: {  	lr =	sadd.s32 s0, s3;
	s0 =	sld [smem:$0x3FA6]  }
0x30: {  	s3 =	sld [smem:$0x3FA9]  }
0x31: {  	[smem:$0x3FB2] =	sst s10  }
0x32: {  	s10 =	sld [smem:$0x3FB0];
	_ =	sdelay $0x3  }
0x33: {  	p0 =	seq.s32 s10, $0x1;
	s10 =	sld [smem:$0x3FB2];
	_ =	sdelay $0x3  }
0x34: {  	[smem:$0x3FB2] =	sst s10  }
0x35: {  	s10 =	sld [smem:$0x3FB1];
	_ =	sdelay $0x3  }
0x36: {  	p1 =	seq.s32 s10, $0x1;
	s10 =	sld [smem:$0x3FB2];
	_ =	sdelay $0x3  }
0x37: {  	[smem:$0x3FB2] =	sst s10  }
0x38: {  	s10 =	sld [smem:$0x3FB3]  }
0x39: {  	_ = 	snop;
	(pc) =	sbr.ind lr, $3  }
0x3a: {  	_ = 	snop  }
0x3b: {  	_ = 	snop  }
0x3c: {  	p2 =	seq.s32 s10, $0x1;
	s10 =	sld [smem:$0x3FB2]  }
0x3d: {  	_ =	shalt  }
0x3e: {  	_ =	shalt  }
0x3f: {  	_ =	shalt  }
0x40: {  	_ =	shalt  }
0x41: {  	_ =	shalt  }
0x42: {  	_ =	shalt  }
0x43: {  	_ =	shalt  }
0x44: {  	_ =	shalt  }
0x45: {  	_ =	shalt  }
0x46: {  	_ =	shalt  }
0x47: {  	_ =	shalt  }
0x48: {  	_ =	shalt  }
0x49: {  	_ =	shalt  }
0x4a: {  	_ =	shalt  }
0x4b: {  	_ =	shalt  }
0x4c: {  	_ =	shalt  }
0x4d: {  	_ =	shalt  }
0x4e: {  	_ =	shalt  }
0x4f: {  	_ =	shalt  }
0x50: {  	_ =	shalt  }
0x51: {  	_ =	shalt  }
0x52: {  	_ =	shalt  }
0x53: {  	_ =	shalt  }
0x54: {  	_ =	shalt  }
0x55: {  	_ =	shalt  }
0x56: {  	_ =	shalt  }
0x57: {  	_ =	shalt  }
0x58: {  	_ =	shalt  }
0x59: {  	_ =	shalt  }
0x5a: {  	_ =	shalt  }
0x5b: {  	_ =	shalt  }
0x5c: {  	_ =	shalt  }
0x5d: {  	_ =	shalt  }
0x5e: {  	_ =	shalt  }
0x5f: {  	_ =	shalt  }
0x60: {  	_ =	shalt  }
0x61: {  	_ =	shalt  }
0x62: {  	_ =	shalt  }
0x63: {  	_ =	shalt  }
0x64: {  	_ =	shalt  }
0x65: {  	_ =	shalt  }
0x66: {  	_ =	shalt  }
0x67: {  	_ =	shalt  }
0x68: {  	_ =	shalt  }
0x69: {  	_ =	shalt  }
0x6a: {  	_ =	shalt  }
0x6b: {  	_ =	shalt  }
0x6c: {  	_ =	shalt  }
0x6d: {  	_ =	shalt  }
0x6e: {  	_ =	shalt  }
0x6f: {  	_ =	shalt  }
0x70: {  	_ =	shalt  }
0x71: {  	_ =	shalt  }
0x72: {  	_ =	shalt  }
0x73: {  	_ =	shalt  }
0x74: {  	_ =	shalt  }
0x75: {  	_ =	shalt  }
0x76: {  	_ =	shalt  }
0x77: {  	_ =	shalt  }
0x78: {  	_ =	shalt  }
0x79: {  	_ =	shalt  }
0x7a: {  	_ =	shalt  }
0x7b: {  	_ =	shalt  }
0x7c: {  	_ =	shalt  }
0x7d: {  	_ =	shalt  }
0x7e: {  	_ =	shalt  }
0x7f: {  	_ =	shalt  }
0x80: {  	_ =	shalt  }
0x81: {  	_ =	shalt  }
0x82: {  	_ =	shalt  }
0x83: {  	_ =	shalt  }
0x84: {  	_ =	shalt  }
0x85: {  	_ =	shalt  }
0x86: {  	_ =	shalt  }
0x87: {  	_ =	shalt  }
.Lfunc_end0:
.L_simem_size_0:
called_computation.1_lowered:
.L_overlay_start_0:
0x88: {  	s2 =	sld [smem:$0x3FD9]  }
0x89: {  	s3 =	sld [smem:$0x3FFE];
	_ =	sdelay $0x1  }
0x8a: {  	s1 =	srdreg.scid  }
0x8b: {  	s0 =	sand.u32 $0x1, s1  }
0x8c: {  	s17 =	sshll.u32 s0, $0xA;
	s2 =	sadd.s32 s3, s2  }
0x8d: {  	s2 =	sadd.s32 s2, s17  }
0x8e: {  	[smem:$0x3FBE] =	sst s2  }
0x8f: {  	_ = 	snop  }
0x90: {  	s2 =	sld [smem:$0x3FD0];
	(tm) =	ssettm $0x1  }
0x91: {  	s18 =	sld [smem:$0x3FFB];
	_ =	sdelay $0x3  }
0x92: {  	_ =	strace s18  }
0x93: {  	s3 =	sld [smem:$0x3FFC];
	_ =	sdelay $0x3  }
0x94: {  	_ =	strace s3  }
0x95: {  	s3 =	sld [smem:$0x3FFD];
	_ =	sdelay $0x3  }
0x96: {  	_ =	strace s3  }
0x97: {  	_ =	strace $0x8FFFFFFF  }
0x98: {  	s19 =	sld [smem:$0x3FDB];
	_ =	sdelay $0x1  }
0x99: {  	s4 =	simm.s32 $_scs_section_size  }
0x9a: {  	s5 =	simm.s32 $_size__tile_overlayer_lowered;
	s6 =	simm.s32 $_tile_overlayer_lowered  }
0x9b: {  	s22 =	simm.s32 $0x1BFF;
	s21 =	sshll.u32 s6, $0x1;
	s3 =	sadd.s32 s4, s19  }
0x9c: {  	s7 =	simm.s32 $0x0;
	s20 =	sshll.u32 s5, $0x1;
	s5 =	sadd.s32 s21, s3  }
0x9d: {  	[timem:s7], [sflag:s22] =	dma.local [hbm:s5], s20  }
0x9e: {  	_ =	swait.ge [sflag:s22], s20  }
0x9f: {  	s4 =	ssub.s32 $0x0, s20;
	[sflag:s22] =	ssyncset.done $0x0  }
0xa0: {  	[sflag:s22] =	ssyncadd.s32 s4;
	_ =	sdelay $0x1  }
0xa1: {  	s23 =	simm.s32 $0x1B8B  }
0xa2: {  	_ =	swait.ge [sflag:s23], $0x1  }
0xa3: {  	[sflag:s23] =	ssyncset.done $0x0  }
0xa4: {  	s25 =	simm.s32 $0x1B8E;
	s24 =	sld [smem:$0x3FFE];
	[sflag:s23] =	ssyncadd.s32 $0xFFFFFFFF  }
0xa5: {  	s26 =	simm.s32 $execute0_lowered;
	[smem:$0x3FD2] =	sst s25  }
0xa6: {  	s5 =	sshll.u32 s26, $0x1;
	_ =	strace $0x80000049;
	[dreg:$0x1] =	wrdreg $0xFFFFFFFF  }
0xa7: {  	s28 =	simm.s32 $_size_execute0_lowered;
	s3 =	sadd.s32 s3, s5;
	[dreg:$0x0] =	wrdreg $0x0  }
0xa8: {  	s5 =	sshll.u32 s28, $0x1;
	[dreg:$0x2] =	wrdreg s3  }
0xa9: {  	[dreg:$0x3] =	wrdreg s5  }
0xaa: {  	[dreg:$0x4] =	wrdreg $0xC0  }
0xab: {  	_ =	task [dreg:s7], $0x5FFFF  }
0xac: {  	[dreg:$0x1] =	wrdreg $0xFFFFFFFF  }
0xad: {  	[dreg:$0x0] =	wrdreg $0x60  }
0xae: {  	[dreg:$0x2] =	wrdreg s2  }
0xaf: {  	[dreg:$0x3] =	wrdreg s24  }
0xb0: {  	[dreg:$0x4] =	wrdreg $0x120000  }
0xb1: {  	[dreg:$0x5] =	wrdreg $0x9  }
0xb2: {  	_ =	task.clear_ibuf [dreg:s7], $0x6FFFF;
	_ =	strace $0x90000049  }
0xb3: {  	s29 =	simm.s32 $0x9;
	_ =	strace $0x8000004B  }
0xb4: {  	_ =	swait.ge [sflag:s29], $0x1  }
0xb5: {  	[sflag:s29] =	ssyncadd.s32 $0xFFFFFFFF  }
0xb6: {  	_ =	strace $0x9000004B  }
0xb7: {  	_ =	sfence  }
0xb8: {  	s30 =	sld [smem:$0x0];
	_ =	sdelay $0x2  }
0xb9: {  	s31 =	sshll.u32 s1, $0xD;
	s1 =	sshrl.u32 s1, $0x2  }
0xba: {  	s3 =	sand.u32 $0x4000, s31;
	s1 =	sadd.s32 s1, s30  }
0xbb: {  	s0 =	sor.u32 s3, s0;
	s1 =	sshll.u32 s1, $0x11  }
0xbc: {  	s0 =	sor.u32 s1, s0  }
0xbd: {  	s0 =	sadd.s32 $0x8F2B, s0  }
0xbe: {  	[sflag:s0] =	ssyncadd.remote.s32 $0x1  }
0xbf: {  	_ =	sfence.sel $0xFFFF  }
0xc0: {  	[dreg:$0x0] =	wrdreg $0xFFFFFFFF;
	(pc) =	sbr.abs _section_cstart, $3  }
0xc1: {  	[dreg:$0x1] =	wrdreg $0xFFFFFFFF  }
0xc2: {  	_ =	task.clear_ibuf [dreg:s7], $0x2FFFF;
	_ =	strace $0x9FFFFFFF  }
0xc3: {  	(tm) =	ssettm $0x7FFFFFFF  }
tec
execute0_lowered:
.L_overlay_start_1:
0x0: {  	(tag) =	ssettag $0x1  }
0x1: {  	s1 =	rddreg [dreg:$0x0]  }
0x2: {  	s0 =	srdreg.scid;
	s6 =	rddreg [dreg:$0x1]  }
0x3: {  	s3 =	rddreg [dreg:$0x2];
	s4 =	simm.s32 $0x0;
	s13 =	simm.s32 $0xA000  }
0x4: {  	s14 =	simm.s32 $0xE000;
	s5 =	sand.u32 $0x1, s0;
	s0 =	stileid.u32  }
0x5: {  	s17 =	simm.s32 $0x1;
	s18 =	simm.s32 $0x2;
	s7 =	smul.u32 $0xA00, s0  }
0x6: {  	s19 =	simm.s32 $0x9F00;
	s20 =	simm.s32 $0x9F80;
	s9 =	smul.u32 $0xA0000, s5  }
0x7: {  	s21 =	simm.s32 $0x0;
	[smem:$0x7FF] =	sst s4;
	s10 =	smul.u32 $0xA000, s0  }
0x8: {  	s2 =	sshll.u32 s5, $0x4;
	s31 =	ssub.s32 $0x2, s5;
	s11 =	smul.u32 $0x28000, s0  }
0x9: {  	s5 =	sadd.s32 $0x21000, s6;
	s15 =	sshll.u32 s0, $0x6;
	s2 =	sor.u32 s0, s2  }
0xa: {  	s12 =	sshrl.u32 s31, $0x1;
	s15 =	sor.u32 $0x1C03, s15;
	s8 =	smul.u32 $0xA00, s2  }
0xb: {  	s2 =	rddreg [dreg:$0x3];
	_ =	strace $0x8000004A;
	s7 =	sadd.s32 s7, s6  }
0xc: {  	s9 =	sadd.s32 s10, s9;
	s10 =	ssub.s32 s31, s12;
	s11 =	sshrl.u32 s11, $0x2  }
0xd: {  	s12 =	simm.s32 $0x80;
	s9 =	sshrl.u32 s9, $0x3;
	s16 =	sadd.s32 s11, s3  }
0xe: {  	s11 =	simm.s32 $0x5000;
	s8 =	sadd.s32 s8, s6;
	s9 =	sadd.s32 s9, s6  }
0xf: {  	s6 =	sadd.s32 $0x17000, s7;
	s16 =	sshrl.u32 s16, $0x3;
	s7 =	sadd.s32 $0x3000, s8  }
0x10: {  	s8 =	sadd.s32 $0x22400, s9;
	s9 =	smax.u32 s10, $0x1;
	s10 =	simm.s32 $0x3  }
.LBB2_1:
0x11: {  	[tilespmem:s4], [sflag:$0x3] =	stream.linear.gather [hbm4b:s6+s4], $0x5000, $0x38;
	[tilespmem:$0x1C000] =	vst v63  }
0x12: {  	_ =	swait.ge [sflag:s10], $0x5000  }
0x13: {  	[sflag:s10] =	ssyncset.done $0x0  }
0x14: {  	[sflag:s10] =	ssyncadd.s32 $0xFFFFB000  }
0x15: {  	[tilespmem:s11], [sflag:$0x3] =	stream.linear.gather [hbm4b:s7+s4], $0x5000, $0x38;
	[tilespmem:$0x1C000] =	vst v63  }
0x16: {  	_ =	swait.ge [sflag:s10], $0x5000  }
0x17: {  	[sflag:s10] =	ssyncset.done $0x0  }
0x18: {  	[sflag:s10] =	ssyncadd.s32 $0xFFFFB000  }
0x19: {  	[tilespmem:s13], [sflag:$0x1] =	stream.indirect.gather [hbm4b:s1+s12], $0x80, s4, s12, $0xb8;
	[tilespmem:$0x1C000] =	vst v63  }
0x1a: {  	_ = 	snop  }
0x1b: {  	[tilespmem:s14], [sflag:$0x2] =	stream.indirect.gather [hbm4b:s1+s12], $0x80, s12, s12, $0xb8;
	[tilespmem:$0x1C000] =	vst v63  }
0x1c: {  	[spmem:s16], [sflag:s15] =	dma.local [hbm:s5], $0x1400  }
0x1d: {  	_ =	swait.ge [sflag:s10], $0x1400  }
0x1e: {  	[sflag:s10] =	ssyncset.done $0x0  }
0x1f: {  	[sflag:s10] =	ssyncadd.s32 $0xFFFFEC00  }
0x20: {  	[bflag:$0x0] =	sbarrier.arrive $0xFFFF  }
0x21: {  	_ =	swait.ge [sflag:s17], $0x4000  }
0x22: {  	[sflag:s17] =	ssyncset.done $0x0  }
0x23: {  	s22 =	simm.s32 $0x5000;
	[sflag:s17] =	ssyncadd.s32 $0xFFFFC000  }
0x24: {  	[spmem:s3] =	stream.indirect.scatter.add.f32 [tilespmem:s13], [sflag:$0x3], $0x80, s22, s12, $0xb8;
	[tilespmem:$0x1C000] =	vst v63  }
0x25: {  	_ =	swait.ge [sflag:s10], $0x4000  }
0x26: {  	[sflag:s10] =	ssyncset.done $0x0  }
0x27: {  	s30 =	simm.s32 $0x100;
	[sflag:s10] =	ssyncadd.s32 $0xFFFFC000  }
0x28: {  	[tilespmem:s13], [sflag:$0x1] =	stream.indirect.gather [hbm4b:s1+s12], $0x80, s30, s12, $0xb8;
	[tilespmem:$0x1C000] =	vst v63  }
0x29: {  	_ =	swait.ge [sflag:s18], $0x4000  }
0x2a: {  	[sflag:s18] =	ssyncset.done $0x0  }
0x2b: {  	s31 =	simm.s32 $0x5080;
	[sflag:s18] =	ssyncadd.s32 $0xFFFFC000  }
0x2c: {  	[spmem:s3] =	stream.indirect.scatter.add.f32 [tilespmem:s14], [sflag:$0x3], $0x80, s31, s12, $0xb8;
	[tilespmem:$0x1C000] =	vst v63  }
0x2d: {  	_ =	swait.ge [sflag:s10], $0x4000  }
0x2e: {  	[sflag:s10] =	ssyncset.done $0x0  }
0x2f: {  	s23 =	simm.s32 $0x180;
	s22 =	simm.s32 $0x400;
	[sflag:s10] =	ssyncadd.s32 $0xFFFFC000  }
.LBB2_2:
0x30: {  	[tilespmem:s14], [sflag:$0x2] =	stream.indirect.gather [hbm4b:s1+s12], $0x80, s23, s12, $0xb8;
	[tilespmem:$0x1C000] =	vst v63  }
0x31: {  	s23 =	smov.u32 s22  }
0x32: {  	p0 =	sne.s32 s22, $0x13800;
	s22 =	sadd.s32 $0x400, s22;
	_ =	swait.ge [sflag:s17], $0x4000  }
0x33: {  	s23 =	sshra.s32 s23, $0x2;
	[sflag:s17] =	ssyncset.done $0x0  }
0x34: {  	s24 =	sadd.s32 $0x5000, s23;
	[sflag:s17] =	ssyncadd.s32 $0xFFFFC000  }
0x35: {  	[spmem:s3] =	stream.indirect.scatter.add.f32 [tilespmem:s13], [sflag:$0x3], $0x80, s24, s12, $0xb8;
	[tilespmem:$0x1C000] =	vst v63  }
0x36: {  	_ =	swait.ge [sflag:s10], $0x4000  }
0x37: {  	[sflag:s10] =	ssyncset.done $0x0  }
0x38: {  	s24 =	sadd.s32 $0x100, s23;
	[sflag:s10] =	ssyncadd.s32 $0xFFFFC000  }
0x39: {  	[tilespmem:s13], [sflag:$0x1] =	stream.indirect.gather [hbm4b:s1+s12], $0x80, s24, s12, $0xb8;
	[tilespmem:$0x1C000] =	vst v63  }
0x3a: {  	_ =	swait.ge [sflag:s18], $0x4000  }
0x3b: {  	[sflag:s18] =	ssyncset.done $0x0  }
.Ltmp0:
0x3c: {  	s24 =	sadd.s32 $0x5080, s23;
	[sflag:s18] =	ssyncadd.s32 $0xFFFFC000;
	(pc) =	sbr.rel @p0 .LBB2_2-.Ltmp0, $4  }
0x3d: {  	[spmem:s3] =	stream.indirect.scatter.add.f32 [tilespmem:s14], [sflag:$0x3], $0x80, s24, s12, $0xb8;
	[tilespmem:$0x1C000] =	vst v63  }
0x3e: {  	_ =	swait.ge [sflag:s10], $0x4000  }
0x3f: {  	[sflag:s10] =	ssyncset.done $0x0  }
0x40: {  	s23 =	sadd.s32 $0x180, s23;
	[sflag:s10] =	ssyncadd.s32 $0xFFFFC000  }
0x41: {  	[tilespmem:s14], [sflag:$0x2] =	stream.indirect.gather [hbm4b:s1+s12], $0x80, s23, s12, $0xb8;
	[tilespmem:$0x1C000] =	vst v63  }
0x42: {  	_ =	swait.ge [sflag:s17], $0x4000  }
0x43: {  	[sflag:s17] =	ssyncset.done $0x0  }
0x44: {  	[sflag:s17] =	ssyncadd.s32 $0xFFFFC000  }
0x45: {  	[spmem:s3] =	stream.indirect.scatter.add.f32 [tilespmem:s13], [sflag:$0x3], $0x80, s19, s12, $0xb8;
	[tilespmem:$0x1C000] =	vst v63  }
0x46: {  	_ =	swait.ge [sflag:s10], $0x4000  }
0x47: {  	[sflag:s10] =	ssyncset.done $0x0  }
0x48: {  	[sflag:s10] =	ssyncadd.s32 $0xFFFFC000  }
0x49: {  	_ =	swait.ge [sflag:s18], $0x4000  }
0x4a: {  	[sflag:s18] =	ssyncset.done $0x0  }
0x4b: {  	[sflag:s18] =	ssyncadd.s32 $0xFFFFC000  }
0x4c: {  	[spmem:s3] =	stream.indirect.scatter.add.f32 [tilespmem:s14], [sflag:$0x3], $0x80, s20, s12, $0xb8;
	[tilespmem:$0x1C000] =	vst v63  }
0x4d: {  	_ =	swait.ge [sflag:s10], $0x4000  }
0x4e: {  	s21 =	sadd.s32 $0x1, s21;
	[sflag:s10] =	ssyncset.done $0x0  }
0x4f: {  	p0 =	sne.s32 s21, s9;
	[sflag:s10] =	ssyncadd.s32 $0xFFFFC000  }
.Ltmp1:
0x50: {  	[bflag:$0x0] =	sbarrier.arrive $0xFFFF;
	(pc) =	sbr.rel @p0 .LBB2_1-.Ltmp1, $4  }
0x51: {  	[hbm:s8], [sflag:s15] =	dma.local [spmem:s16], $0x1400  }
0x52: {  	_ =	swait.ge [sflag:s10], $0x1400  }
0x53: {  	[sflag:s10] =	ssyncset.done $0x0  }
0x54: {  	[sflag:s10] =	ssyncadd.s32 $0xFFFFEC00  }
0x55: {  	_ =	sfence.sel $0x180000  }
0x56: {  	[bflag:$0x0] =	sbarrier.arrive $0xFFFF  }
0x57: {  	p0 =	sne.s32 s0, $0x0;
	_ =	strace $0x9000004A  }
0x58: {  	s0 =	sadd.s32 @!p0 $0x100000, s2;
	[bflag:$0x2] =	sbarrier.arrive $0xFFFF  }
0x59: {  	[sflag:s0] =	ssyncadd.tile.s32 @!p0 $0x1;
	_ =	shalt  }
.Lfunc_end2:
_tile_overlayer_lowered:
.L_overlay_start_2:
0x5a: {  	(tag) =	ssettag $0x2  }
0x5b: {  	s0 =	rddreg [dreg:$0x0];
	s2 =	stileid.u32  }
0x5c: {  	s1 =	rddreg [dreg:$0x1];
	p0 =	sne.s32 s2, $0x0  }
0x5d: {  	s3 =	rddreg [dreg:$0x2];
	[bflag:$0x3] =	sbarrier.arrive $0xFFFF;
	s2 =	simm.s32 @!p0 $0x1C03  }
0x5e: {  	[timem:s3], [sflag:s2] =	dma.local @!p0 [hbm:s0], s1  }
0x5f: {  	s0 =	simm.s32 @!p0 $0x3  }
0x60: {  	_ =	swait.ge @!p0 [sflag:s0], s1  }
0x61: {  	s1 =	ssub.s32 @!p0 $0x0, s1;
	[sflag:s0] =	ssyncset.done @!p0 $0x0  }
0x62: {  	[sflag:s0] =	ssyncadd.s32 @!p0 s1  }
0x63: {  	[bflag:$0x3] =	sbarrier.arrive $0xFFFF  }
0x64: {  	_ =	shalt  }

// kernel: kernel.7.cloned.1.call-start
scs
__scs_entry_jumppad:
0x0: {  	(pc) =	sbr.rel $0x88, $3  }
0x1: {  	(tag) =	ssettag $0x0;
	lr =	simm.s32 $0x1  }
0x2: {  	[smem:$0x3F97] =	sst lr;
	_ =	strace $0xD0000000  }
0x3: {  	_ = 	snop  }
0x4: {  	_ = 	snop  }
0x5: {  	_ = 	snop  }
0x6: {  	_ = 	snop  }
0x7: {  	_ = 	snop  }
__scs_overlays_trampoline_lowered:
0x8: {  	[smem:$0x3FA6] =	sst s0  }
0x9: {  	[smem:$0x3FA7] =	sst s1  }
0xa: {  	[smem:$0x3FA8] =	sst s2  }
0xb: {  	[smem:$0x3FA9] =	sst s3  }
0xc: {  	[smem:$0x3FAA] =	sst s4  }
0xd: {  	[smem:$0x3FAB] =	sst s5  }
0xe: {  	[smem:$0x3FAC] =	sst s6  }
0xf: {  	[smem:$0x3FAD] =	sst s7  }
0x10: {  	[smem:$0x3FAE] =	sst s8  }
0x11: {  	[smem:$0x3FAF] =	sst s9;
	s0 =	simm.s32 @!p0 $0x0  }
0x12: {  	s1 =	sld [smem:$0x3F95];
	s0 =	simm.s32 @p0 $0x1  }
0x13: {  	[smem:$0x3FB0] =	sst s0;
	s0 =	simm.s32 @!p1 $0x0  }
0x14: {  	s2 =	sld [smem:$0x3F94];
	s0 =	simm.s32 @p1 $0x1  }
0x15: {  	[smem:$0x3FB1] =	sst s0;
	s0 =	simm.s32 @!p2 $0x0  }
0x16: {  	s3 =	sld [smem:$0x3FDB];
	s0 =	simm.s32 @p2 $0x1  }
0x17: {  	s4 =	simm.s32 $0x1BF5;
	[smem:$0x3FB3] =	sst s0  }
0x18: {  	s0 =	sld [smem:$0x3F96];
	_ =	swait.ge [sflag:s4], $0x0  }
0x19: {  	s7 =	sld [smem:$0x3F97]  }
0x1a: {  	s8 =	sadd.s32 $0xFFFFE003, lr  }
0x1b: {  	s9 =	sadd.s32 $0xFFFFFEF7, lr;
	s5 =	simm.s32 $0xFFFFFFFF;
	p2 =	slt.u32 s8, $0xFFFFF086  }
0x1c: {  	p1 =	slt.u32 s9, $0xF7A;
	s5 =	simm.s32 @!p2 $0x0  }
0x1d: {  	s5 =	simm.s32 @p1 $0x1;
	p0 =	seq.s32 s7, s2  }
0x1e: {  	s7 =	smul.u32 @!p0 $0xF7A, s2;
	p2 =	seq.s32 @!p0 s5, $0x0  }
0x1f: {  	s9 =	smul.u32 $0xF7A, s1;
	s8 =	simm.s32 @!p0 $0x1BF5;
	p2 =	por !p2, p0  }
0x20: {  	[sflag:s8] =	ssyncset.s32 @!p0 $0xFFFFF086;
	s6 =	sadd.s32 @!p0 s3, s7;
	s7 =	simm.s32 @!p0 $0x108  }
0x21: {  	s3 =	sadd.s32 s3, s9;
	s6 =	sadd.s32 @!p0 $0x88, s6;
	s7 =	simm.s32 @p2 $0x1082  }
0x22: {  	[simem:s7], [sflag:s8] =	dma.local @!p0 [hbm:s6], $0xF7A  }
0x23: {  	s9 =	sor.u32 $0xD0000000, s2;
	s6 =	simm.s32 $0x108;
	_ =	swait.ge @!p0 [sflag:s8], $0x0  }
0x24: {  	s3 =	sadd.s32 $0x88, s3;
	s6 =	simm.s32 @!p1 $0x1082;
	[sflag:s4] =	ssyncset.s32 $0xFFFFF086  }
0x25: {  	[simem:s6], [sflag:s4] =	dma.local [hbm:s3], $0xF7A  }
0x26: {  	[smem:$0x3F97] =	sst s1;
	(tag) =	ssettag s2;
	_ =	strace s9  }
0x27: {  	s1 =	sld [smem:$0x3FA7]  }
0x28: {  	s2 =	sld [smem:$0x3FA8]  }
0x29: {  	s4 =	sld [smem:$0x3FAA]  }
0x2a: {  	p0 =	seq.s32 s5, $0x0;
	s5 =	sld [smem:$0x3FAB]  }
0x2b: {  	s6 =	sld [smem:$0x3FAC]  }
0x2c: {  	s7 =	sld [smem:$0x3FAD]  }
0x2d: {  	s3 =	simm.s32 $0x108;
	s8 =	sld [smem:$0x3FAE]  }
0x2e: {  	s3 =	simm.s32 @!p0 $0x1082;
	s9 =	sld [smem:$0x3FAF]  }
0x2f: {  	lr =	sadd.s32 s0, s3;
	s0 =	sld [smem:$0x3FA6]  }
0x30: {  	s3 =	sld [smem:$0x3FA9]  }
0x31: {  	[smem:$0x3FB2] =	sst s10  }
0x32: {  	s10 =	sld [smem:$0x3FB0];
	_ =	sdelay $0x3  }
0x33: {  	p0 =	seq.s32 s10, $0x1;
	s10 =	sld [smem:$0x3FB2];
	_ =	sdelay $0x3  }
0x34: {  	[smem:$0x3FB2] =	sst s10  }
0x35: {  	s10 =	sld [smem:$0x3FB1];
	_ =	sdelay $0x3  }
0x36: {  	p1 =	seq.s32 s10, $0x1;
	s10 =	sld [smem:$0x3FB2];
	_ =	sdelay $0x3  }
0x37: {  	[smem:$0x3FB2] =	sst s10  }
0x38: {  	s10 =	sld [smem:$0x3FB3]  }
0x39: {  	_ = 	snop;
	(pc) =	sbr.ind lr, $3  }
0x3a: {  	_ = 	snop  }
0x3b: {  	_ = 	snop  }
0x3c: {  	p2 =	seq.s32 s10, $0x1;
	s10 =	sld [smem:$0x3FB2]  }
0x3d: {  	_ =	shalt  }
0x3e: {  	_ =	shalt  }
0x3f: {  	_ =	shalt  }
0x40: {  	_ =	shalt  }
0x41: {  	_ =	shalt  }
0x42: {  	_ =	shalt  }
0x43: {  	_ =	shalt  }
0x44: {  	_ =	shalt  }
0x45: {  	_ =	shalt  }
0x46: {  	_ =	shalt  }
0x47: {  	_ =	shalt  }
0x48: {  	_ =	shalt  }
0x49: {  	_ =	shalt  }
0x4a: {  	_ =	shalt  }
0x4b: {  	_ =	shalt  }
0x4c: {  	_ =	shalt  }
0x4d: {  	_ =	shalt  }
0x4e: {  	_ =	shalt  }
0x4f: {  	_ =	shalt  }
0x50: {  	_ =	shalt  }
0x51: {  	_ =	shalt  }
0x52: {  	_ =	shalt  }
0x53: {  	_ =	shalt  }
0x54: {  	_ =	shalt  }
0x55: {  	_ =	shalt  }
0x56: {  	_ =	shalt  }
0x57: {  	_ =	shalt  }
0x58: {  	_ =	shalt  }
0x59: {  	_ =	shalt  }
0x5a: {  	_ =	shalt  }
0x5b: {  	_ =	shalt  }
0x5c: {  	_ =	shalt  }
0x5d: {  	_ =	shalt  }
0x5e: {  	_ =	shalt  }
0x5f: {  	_ =	shalt  }
0x60: {  	_ =	shalt  }
0x61: {  	_ =	shalt  }
0x62: {  	_ =	shalt  }
0x63: {  	_ =	shalt  }
0x64: {  	_ =	shalt  }
0x65: {  	_ =	shalt  }
0x66: {  	_ =	shalt  }
0x67: {  	_ =	shalt  }
0x68: {  	_ =	shalt  }
0x69: {  	_ =	shalt  }
0x6a: {  	_ =	shalt  }
0x6b: {  	_ =	shalt  }
0x6c: {  	_ =	shalt  }
0x6d: {  	_ =	shalt  }
0x6e: {  	_ =	shalt  }
0x6f: {  	_ =	shalt  }
0x70: {  	_ =	shalt  }
0x71: {  	_ =	shalt  }
0x72: {  	_ =	shalt  }
0x73: {  	_ =	shalt  }
0x74: {  	_ =	shalt  }
0x75: {  	_ =	shalt  }
0x76: {  	_ =	shalt  }
0x77: {  	_ =	shalt  }
0x78: {  	_ =	shalt  }
0x79: {  	_ =	shalt  }
0x7a: {  	_ =	shalt  }
0x7b: {  	_ =	shalt  }
0x7c: {  	_ =	shalt  }
0x7d: {  	_ =	shalt  }
0x7e: {  	_ =	shalt  }
0x7f: {  	_ =	shalt  }
0x80: {  	_ =	shalt  }
0x81: {  	_ =	shalt  }
0x82: {  	_ =	shalt  }
0x83: {  	_ =	shalt  }
0x84: {  	_ =	shalt  }
0x85: {  	_ =	shalt  }
0x86: {  	_ =	shalt  }
0x87: {  	_ =	shalt  }
.Lfunc_end0:
.L_simem_size_0:
called_computation_lowered:
.L_overlay_start_0:
0x88: {  	s2 =	sld [smem:$0x3FD9]  }
0x89: {  	s3 =	sld [smem:$0x3FFE];
	_ =	sdelay $0x1  }
0x8a: {  	s1 =	srdreg.scid  }
0x8b: {  	s0 =	sand.u32 $0x1, s1  }
0x8c: {  	s17 =	sshll.u32 s0, $0xA;
	s2 =	sadd.s32 s3, s2  }
0x8d: {  	s2 =	sadd.s32 s2, s17  }
0x8e: {  	[smem:$0x3FBE] =	sst s2  }
0x8f: {  	_ = 	snop  }
0x90: {  	s2 =	sld [smem:$0x3FC9];
	(tm) =	ssettm $0x1  }
0x91: {  	s18 =	sld [smem:$0x3FFB];
	_ =	sdelay $0x3  }
0x92: {  	_ =	strace s18  }
0x93: {  	s3 =	sld [smem:$0x3FFC];
	_ =	sdelay $0x3  }
0x94: {  	_ =	strace s3  }
0x95: {  	s3 =	sld [smem:$0x3FFD];
	_ =	sdelay $0x3  }
0x96: {  	_ =	strace s3  }
0x97: {  	_ =	strace $0x8FFFFFFF  }
0x98: {  	s19 =	sld [smem:$0x3FDB];
	_ =	sdelay $0x1  }
0x99: {  	s4 =	simm.s32 $_scs_section_size  }
0x9a: {  	s5 =	simm.s32 $_size__tile_overlayer_lowered;
	s6 =	simm.s32 $_tile_overlayer_lowered  }
0x9b: {  	s22 =	simm.s32 $0x1BFF;
	s21 =	sshll.u32 s6, $0x1;
	s3 =	sadd.s32 s4, s19  }
0x9c: {  	s7 =	simm.s32 $0x0;
	s20 =	sshll.u32 s5, $0x1;
	s5 =	sadd.s32 s21, s3  }
0x9d: {  	[timem:s7], [sflag:s22] =	dma.local [hbm:s5], s20  }
0x9e: {  	_ =	swait.ge [sflag:s22], s20  }
0x9f: {  	s4 =	ssub.s32 $0x0, s20;
	[sflag:s22] =	ssyncset.done $0x0  }
0xa0: {  	[sflag:s22] =	ssyncadd.s32 s4;
	_ =	sdelay $0x1  }
0xa1: {  	s23 =	simm.s32 $0x1B8B  }
0xa2: {  	_ =	swait.ge [sflag:s23], $0x1  }
0xa3: {  	[sflag:s23] =	ssyncset.done $0x0  }
0xa4: {  	s25 =	simm.s32 $0x1B8E;
	s24 =	sld [smem:$0x3FFE];
	[sflag:s23] =	ssyncadd.s32 $0xFFFFFFFF  }
0xa5: {  	s26 =	simm.s32 $execute0_lowered;
	[smem:$0x3FD2] =	sst s25  }
0xa6: {  	s5 =	sshll.u32 s26, $0x1;
	_ =	strace $0x80000046;
	[dreg:$0x1] =	wrdreg $0xFFFFFFFF  }
0xa7: {  	s28 =	simm.s32 $_size_execute0_lowered;
	s3 =	sadd.s32 s3, s5;
	[dreg:$0x0] =	wrdreg $0x0  }
0xa8: {  	s5 =	sshll.u32 s28, $0x1;
	[dreg:$0x2] =	wrdreg s3  }
0xa9: {  	[dreg:$0x3] =	wrdreg s5  }
0xaa: {  	[dreg:$0x4] =	wrdreg $0xC0  }
0xab: {  	_ =	task [dreg:s7], $0x5FFFF  }
0xac: {  	[dreg:$0x1] =	wrdreg $0xFFFFFFFF  }
0xad: {  	[dreg:$0x0] =	wrdreg $0x60  }
0xae: {  	[dreg:$0x2] =	wrdreg s2  }
0xaf: {  	[dreg:$0x3] =	wrdreg s24  }
0xb0: {  	[dreg:$0x4] =	wrdreg $0x120000  }
0xb1: {  	[dreg:$0x5] =	wrdreg $0x9  }
0xb2: {  	_ =	task.clear_ibuf [dreg:s7], $0x6FFFF;
	_ =	strace $0x90000046  }
0xb3: {  	s29 =	simm.s32 $0x9;
	_ =	strace $0x80000048  }
0xb4: {  	_ =	swait.ge [sflag:s29], $0x1  }
0xb5: {  	[sflag:s29] =	ssyncadd.s32 $0xFFFFFFFF  }
0xb6: {  	_ =	strace $0x90000048  }
0xb7: {  	_ =	sfence  }
0xb8: {  	s30 =	sld [smem:$0x0];
	_ =	sdelay $0x2  }
0xb9: {  	s31 =	sshll.u32 s1, $0xD;
	s1 =	sshrl.u32 s1, $0x2  }
0xba: {  	s3 =	sand.u32 $0x4000, s31;
	s1 =	sadd.s32 s1, s30  }
0xbb: {  	s0 =	sor.u32 s3, s0;
	s1 =	sshll.u32 s1, $0x11  }
0xbc: {  	s0 =	sor.u32 s1, s0  }
0xbd: {  	s0 =	sadd.s32 $0x8F2B, s0  }
0xbe: {  	[sflag:s0] =	ssyncadd.remote.s32 $0x1  }
0xbf: {  	_ =	sfence.sel $0xFFFF  }
0xc0: {  	[dreg:$0x0] =	wrdreg $0xFFFFFFFF;
	(pc) =	sbr.abs _section_cstart, $3  }
0xc1: {  	[dreg:$0x1] =	wrdreg $0xFFFFFFFF  }
0xc2: {  	_ =	task.clear_ibuf [dreg:s7], $0x2FFFF;
	_ =	strace $0x9FFFFFFF  }
0xc3: {  	(tm) =	ssettm $0x7FFFFFFF  }
tec
execute0_lowered:
.L_overlay_start_1:
0x0: {  	(tag) =	ssettag $0x1  }
0x1: {  	s1 =	rddreg [dreg:$0x0]  }
0x2: {  	s0 =	srdreg.scid;
	s6 =	rddreg [dreg:$0x1]  }
0x3: {  	s3 =	rddreg [dreg:$0x2];
	s4 =	simm.s32 $0x0;
	s13 =	simm.s32 $0xA000  }
0x4: {  	s14 =	simm.s32 $0xE000;
	s5 =	sand.u32 $0x1, s0;
	s0 =	stileid.u32  }
0x5: {  	s17 =	simm.s32 $0x1;
	s18 =	simm.s32 $0x2;
	s7 =	smul.u32 $0xA00, s0  }
0x6: {  	s19 =	simm.s32 $0x9F00;
	s20 =	simm.s32 $0x9F80;
	s9 =	smul.u32 $0xA0000, s5  }
0x7: {  	s21 =	simm.s32 $0x0;
	[smem:$0x7FF] =	sst s4;
	s10 =	smul.u32 $0xA000, s0  }
0x8: {  	s2 =	sshll.u32 s5, $0x4;
	s31 =	ssub.s32 $0x2, s5;
	s11 =	smul.u32 $0x28000, s0  }
0x9: {  	s5 =	sadd.s32 $0x21000, s6;
	s15 =	sshll.u32 s0, $0x6;
	s2 =	sor.u32 s0, s2  }
0xa: {  	s12 =	sshrl.u32 s31, $0x1;
	s15 =	sor.u32 $0x1C03, s15;
	s8 =	smul.u32 $0xA00, s2  }
0xb: {  	s2 =	rddreg [dreg:$0x3];
	_ =	strace $0x80000047;
	s7 =	sadd.s32 s7, s6  }
0xc: {  	s9 =	sadd.s32 s10, s9;
	s10 =	ssub.s32 s31, s12;
	s11 =	sshrl.u32 s11, $0x2  }
0xd: {  	s12 =	simm.s32 $0x80;
	s9 =	sshrl.u32 s9, $0x3;
	s16 =	sadd.s32 s11, s3  }
0xe: {  	s11 =	simm.s32 $0x5000;
	s8 =	sadd.s32 s8, s6;
	s9 =	sadd.s32 s9, s6  }
0xf: {  	s6 =	sadd.s32 $0x17000, s7;
	s16 =	sshrl.u32 s16, $0x3;
	s7 =	sadd.s32 $0x3000, s8  }
0x10: {  	s8 =	sadd.s32 $0x22400, s9;
	s9 =	smax.u32 s10, $0x1;
	s10 =	simm.s32 $0x3  }
.LBB2_1:
0x11: {  	[tilespmem:s4], [sflag:$0x3] =	stream.linear.gather [hbm4b:s6+s4], $0x5000, $0x38;
	[tilespmem:$0x1C000] =	vst v63  }
0x12: {  	_ =	swait.ge [sflag:s10], $0x5000  }
0x13: {  	[sflag:s10] =	ssyncset.done $0x0  }
0x14: {  	[sflag:s10] =	ssyncadd.s32 $0xFFFFB000  }
0x15: {  	[tilespmem:s11], [sflag:$0x3] =	stream.linear.gather [hbm4b:s7+s4], $0x5000, $0x38;
	[tilespmem:$0x1C000] =	vst v63  }
0x16: {  	_ =	swait.ge [sflag:s10], $0x5000  }
0x17: {  	[sflag:s10] =	ssyncset.done $0x0  }
0x18: {  	[sflag:s10] =	ssyncadd.s32 $0xFFFFB000  }
0x19: {  	[tilespmem:s13], [sflag:$0x1] =	stream.indirect.gather [hbm4b:s1+s12], $0x80, s4, s12, $0xb8;
	[tilespmem:$0x1C000] =	vst v63  }
0x1a: {  	_ = 	snop  }
0x1b: {  	[tilespmem:s14], [sflag:$0x2] =	stream.indirect.gather [hbm4b:s1+s12], $0x80, s12, s12, $0xb8;
	[tilespmem:$0x1C000] =	vst v63  }
0x1c: {  	[spmem:s16], [sflag:s15] =	dma.local [hbm:s5], $0x1400  }
0x1d: {  	_ =	swait.ge [sflag:s10], $0x1400  }
0x1e: {  	[sflag:s10] =	ssyncset.done $0x0  }
0x1f: {  	[sflag:s10] =	ssyncadd.s32 $0xFFFFEC00  }
0x20: {  	[bflag:$0x0] =	sbarrier.arrive $0xFFFF  }
0x21: {  	_ =	swait.ge [sflag:s17], $0x4000  }
0x22: {  	[sflag:s17] =	ssyncset.done $0x0  }
0x23: {  	s22 =	simm.s32 $0x5000;
	[sflag:s17] =	ssyncadd.s32 $0xFFFFC000  }
0x24: {  	[spmem:s3] =	stream.indirect.scatter.add.f32 [tilespmem:s13], [sflag:$0x3], $0x80, s22, s12, $0xb8;
	[tilespmem:$0x1C000] =	vst v63  }
0x25: {  	_ =	swait.ge [sflag:s10], $0x4000  }
0x26: {  	[sflag:s10] =	ssyncset.done $0x0  }
0x27: {  	s30 =	simm.s32 $0x100;
	[sflag:s10] =	ssyncadd.s32 $0xFFFFC000  }
0x28: {  	[tilespmem:s13], [sflag:$0x1] =	stream.indirect.gather [hbm4b:s1+s12], $0x80, s30, s12, $0xb8;
	[tilespmem:$0x1C000] =	vst v63  }
0x29: {  	_ =	swait.ge [sflag:s18], $0x4000  }
0x2a: {  	[sflag:s18] =	ssyncset.done $0x0  }
0x2b: {  	s31 =	simm.s32 $0x5080;
	[sflag:s18] =	ssyncadd.s32 $0xFFFFC000  }
0x2c: {  	[spmem:s3] =	stream.indirect.scatter.add.f32 [tilespmem:s14], [sflag:$0x3], $0x80, s31, s12, $0xb8;
	[tilespmem:$0x1C000] =	vst v63  }
0x2d: {  	_ =	swait.ge [sflag:s10], $0x4000  }
0x2e: {  	[sflag:s10] =	ssyncset.done $0x0  }
0x2f: {  	s23 =	simm.s32 $0x180;
	s22 =	simm.s32 $0x400;
	[sflag:s10] =	ssyncadd.s32 $0xFFFFC000  }
.LBB2_2:
0x30: {  	[tilespmem:s14], [sflag:$0x2] =	stream.indirect.gather [hbm4b:s1+s12], $0x80, s23, s12, $0xb8;
	[tilespmem:$0x1C000] =	vst v63  }
0x31: {  	s23 =	smov.u32 s22  }
0x32: {  	p0 =	sne.s32 s22, $0x13800;
	s22 =	sadd.s32 $0x400, s22;
	_ =	swait.ge [sflag:s17], $0x4000  }
0x33: {  	s23 =	sshra.s32 s23, $0x2;
	[sflag:s17] =	ssyncset.done $0x0  }
0x34: {  	s24 =	sadd.s32 $0x5000, s23;
	[sflag:s17] =	ssyncadd.s32 $0xFFFFC000  }
0x35: {  	[spmem:s3] =	stream.indirect.scatter.add.f32 [tilespmem:s13], [sflag:$0x3], $0x80, s24, s12, $0xb8;
	[tilespmem:$0x1C000] =	vst v63  }
0x36: {  	_ =	swait.ge [sflag:s10], $0x4000  }
0x37: {  	[sflag:s10] =	ssyncset.done $0x0  }
0x38: {  	s24 =	sadd.s32 $0x100, s23;
	[sflag:s10] =	ssyncadd.s32 $0xFFFFC000  }
0x39: {  	[tilespmem:s13], [sflag:$0x1] =	stream.indirect.gather [hbm4b:s1+s12], $0x80, s24, s12, $0xb8;
	[tilespmem:$0x1C000] =	vst v63  }
0x3a: {  	_ =	swait.ge [sflag:s18], $0x4000  }
0x3b: {  	[sflag:s18] =	ssyncset.done $0x0  }
.Ltmp0:
0x3c: {  	s24 =	sadd.s32 $0x5080, s23;
	[sflag:s18] =	ssyncadd.s32 $0xFFFFC000;
	(pc) =	sbr.rel @p0 .LBB2_2-.Ltmp0, $4  }
0x3d: {  	[spmem:s3] =	stream.indirect.scatter.add.f32 [tilespmem:s14], [sflag:$0x3], $0x80, s24, s12, $0xb8;
	[tilespmem:$0x1C000] =	vst v63  }
0x3e: {  	_ =	swait.ge [sflag:s10], $0x4000  }
0x3f: {  	[sflag:s10] =	ssyncset.done $0x0  }
0x40: {  	s23 =	sadd.s32 $0x180, s23;
	[sflag:s10] =	ssyncadd.s32 $0xFFFFC000  }
0x41: {  	[tilespmem:s14], [sflag:$0x2] =	stream.indirect.gather [hbm4b:s1+s12], $0x80, s23, s12, $0xb8;
	[tilespmem:$0x1C000] =	vst v63  }
0x42: {  	_ =	swait.ge [sflag:s17], $0x4000  }
0x43: {  	[sflag:s17] =	ssyncset.done $0x0  }
0x44: {  	[sflag:s17] =	ssyncadd.s32 $0xFFFFC000  }
0x45: {  	[spmem:s3] =	stream.indirect.scatter.add.f32 [tilespmem:s13], [sflag:$0x3], $0x80, s19, s12, $0xb8;
	[tilespmem:$0x1C000] =	vst v63  }
0x46: {  	_ =	swait.ge [sflag:s10], $0x4000  }
0x47: {  	[sflag:s10] =	ssyncset.done $0x0  }
0x48: {  	[sflag:s10] =	ssyncadd.s32 $0xFFFFC000  }
0x49: {  	_ =	swait.ge [sflag:s18], $0x4000  }
0x4a: {  	[sflag:s18] =	ssyncset.done $0x0  }
0x4b: {  	[sflag:s18] =	ssyncadd.s32 $0xFFFFC000  }
0x4c: {  	[spmem:s3] =	stream.indirect.scatter.add.f32 [tilespmem:s14], [sflag:$0x3], $0x80, s20, s12, $0xb8;
	[tilespmem:$0x1C000] =	vst v63  }
0x4d: {  	_ =	swait.ge [sflag:s10], $0x4000  }
0x4e: {  	s21 =	sadd.s32 $0x1, s21;
	[sflag:s10] =	ssyncset.done $0x0  }
0x4f: {  	p0 =	sne.s32 s21, s9;
	[sflag:s10] =	ssyncadd.s32 $0xFFFFC000  }
.Ltmp1:
0x50: {  	[bflag:$0x0] =	sbarrier.arrive $0xFFFF;
	(pc) =	sbr.rel @p0 .LBB2_1-.Ltmp1, $4  }
0x51: {  	[hbm:s8], [sflag:s15] =	dma.local [spmem:s16], $0x1400  }
0x52: {  	_ =	swait.ge [sflag:s10], $0x1400  }
0x53: {  	[sflag:s10] =	ssyncset.done $0x0  }
0x54: {  	[sflag:s10] =	ssyncadd.s32 $0xFFFFEC00  }
0x55: {  	_ =	sfence.sel $0x180000  }
0x56: {  	[bflag:$0x0] =	sbarrier.arrive $0xFFFF  }
0x57: {  	p0 =	sne.s32 s0, $0x0;
	_ =	strace $0x90000047  }
0x58: {  	s0 =	sadd.s32 @!p0 $0x100000, s2;
	[bflag:$0x2] =	sbarrier.arrive $0xFFFF  }
0x59: {  	[sflag:s0] =	ssyncadd.tile.s32 @!p0 $0x1;
	_ =	shalt  }
.Lfunc_end2:
_tile_overlayer_lowered:
.L_overlay_start_2:
0x5a: {  	(tag) =	ssettag $0x2  }
0x5b: {  	s0 =	rddreg [dreg:$0x0];
	s2 =	stileid.u32  }
0x5c: {  	s1 =	rddreg [dreg:$0x1];
	p0 =	sne.s32 s2, $0x0  }
0x5d: {  	s3 =	rddreg [dreg:$0x2];
	[bflag:$0x3] =	sbarrier.arrive $0xFFFF;
	s2 =	simm.s32 @!p0 $0x1C03  }
0x5e: {  	[timem:s3], [sflag:s2] =	dma.local @!p0 [hbm:s0], s1  }
0x5f: {  	s0 =	simm.s32 @!p0 $0x3  }
0x60: {  	_ =	swait.ge @!p0 [sflag:s0], s1  }
0x61: {  	s1 =	ssub.s32 @!p0 $0x0, s1;
	[sflag:s0] =	ssyncset.done @!p0 $0x0  }
0x62: {  	[sflag:s0] =	ssyncadd.s32 @!p0 s1  }
0x63: {  	[bflag:$0x3] =	sbarrier.arrive $0xFFFF  }
0x64: {  	_ =	shalt  }

</sc_bundles>
